<compile_context>
chip_gen: v7x
topology: tpu7x:2x2x1
jax: 0.10.2.dev20260603
libtpu: 0.0.44.dev20260713+nightly
codegen_flags: <defaults>
</compile_context>

<pallas_src>
import functools

import jax
import jax.numpy as jnp
from jax import lax
from jax.experimental import pallas as pl
from jax.experimental.pallas import tpu as pltpu
from jax.experimental.pallas import tpu_sc as plsc

NN = 10000
EE = 320000
DD = 128
HH = 128
OO = 64

NC = 2
NS = 16
NW = NC * NS
CH = 128
EC = 2560
E_PAD = EC * CH
ECT = EC // NW
BLK = 40
CS = 120
CF = 40
NBLK0 = -(-CS // BLK)
NBLK1 = -(-CF // BLK)
N_TAB = 10240
NPT = N_TAB // NS
DUMMY = NN

BR = 2000
GRID = NN // BR

_mesh = plsc.VectorSubcoreMesh(core_axis_name="c", subcore_axis_name="s")



@functools.partial(
    pl.kernel,
    out_type=jax.ShapeDtypeStruct((NC, N_TAB), jnp.float32),
    mesh=_mesh,
    scratch_types=[
        pltpu.VMEM((ECT, CH), jnp.int32),
        pltpu.VMEM((CH,), jnp.float32),
        pltpu.VMEM((N_TAB // NS,), jnp.float32),
        pltpu.VMEM_SHARED((N_TAB,), jnp.float32),
    ],
)
def _sc_deg(col_hbm, out_hbm, cidx, ones_v, zbuf, dacc):
    c = lax.axis_index("c")
    s = lax.axis_index("s")
    w = c * NS + s
    zpt = N_TAB // NS

    def fill_zeros(i, carry):
        zbuf[pl.ds(i * 16, 16)] = jnp.zeros((16,), jnp.float32)
        return carry

    lax.fori_loop(0, zpt // 16, fill_zeros, 0)

    def fill_ones(i, carry):
        ones_v[pl.ds(i * 16, 16)] = jnp.ones((16,), jnp.float32)
        return carry

    lax.fori_loop(0, CH // 16, fill_ones, 0)

    pltpu.sync_copy(zbuf, dacc.at[pl.ds(s * zpt, zpt)])
    pltpu.sync_copy(col_hbm.at[pl.ds(w * ECT, ECT)], cidx)
    plsc.subcore_barrier()

    def body(j, carry):
        pltpu.sync_copy(ones_v, dacc.at[cidx.at[j]], add=True)
        return carry

    lax.fori_loop(0, ECT, body, 0)
    plsc.subcore_barrier()
    pltpu.sync_copy(dacc.at[pl.ds(s * zpt, zpt)], out_hbm.at[c, pl.ds(s * zpt, zpt)])


def _make_sc_agg(F, FS):

    @functools.partial(
        pl.kernel,
        out_type=jax.ShapeDtypeStruct((NC, N_TAB, FS), jnp.float32),
        mesh=_mesh,
        scratch_types=[
            pltpu.VMEM((BLK, CH), jnp.int32),
            pltpu.VMEM((BLK, CH), jnp.int32),
            pltpu.VMEM((CH, F), jnp.float32),
            pltpu.VMEM((CH, F), jnp.float32),
            pltpu.VMEM_SHARED((N_TAB, FS), jnp.float32),
            pltpu.SemaphoreType.DMA,
            pltpu.SemaphoreType.DMA,
        ],
    )
    def agg(tab_hbm, row_hbm, col_hbm, zero_hbm, out_hbm,
            ridx, cidx, m0, m1, acc, sem0, sem1):
        c = lax.axis_index("c")
        s = lax.axis_index("s")

        pltpu.sync_copy(zero_hbm.at[pl.ds(s * NPT, NPT)], acc.at[pl.ds(s * NPT, NPT)])
        plsc.subcore_barrier()

        def run_block(base, npairs):
            pltpu.sync_copy(row_hbm.at[pl.ds(base, BLK)], ridx)
            pltpu.sync_copy(col_hbm.at[pl.ds(base, BLK)], cidx)
            pltpu.async_copy(tab_hbm.at[ridx.at[0]], m0, sem0)

            def body(jj, inner_carry):
                j0 = 2 * jj
                j1 = j0 + 1
                pltpu.make_async_copy(tab_hbm.at[ridx.at[j0]], m0, sem0).wait()
                pltpu.async_copy(tab_hbm.at[ridx.at[j1]], m1, sem1)
                pltpu.sync_copy(m0 if FS == F else m0.at[:, pl.ds(0, FS)],
                                acc.at[cidx.at[j0]], add=True)
                pltpu.make_async_copy(tab_hbm.at[ridx.at[j1]], m1, sem1).wait()

                @pl.when(jj < npairs - 1)
                def _start_next():
                    pltpu.async_copy(tab_hbm.at[ridx.at[j0 + 2]], m0, sem0)

                pltpu.sync_copy(m1 if FS == F else m1.at[:, pl.ds(0, FS)],
                                acc.at[cidx.at[j1]], add=True)
                return inner_carry

            lax.fori_loop(0, npairs, body, 0)

        tile_base = jnp.where(c == 0, s * CS, NS * CS + s * CF)
        nfull = jnp.where(c == 0, CS // BLK, CF // BLK)

        def outer(b, carry):
            run_block(tile_base + b * BLK, BLK // 2)
            return carry

        lax.fori_loop(0, nfull, outer, 0)

        if CS % BLK:
            @pl.when(c == 0)
            def _tail0():
                run_block(tile_base + (CS // BLK) * BLK, (CS % BLK) // 2)
        if CF % BLK:
            @pl.when(c == 1)
            def _tail1():
                run_block(tile_base + (CF // BLK) * BLK, (CF % BLK) // 2)

        plsc.subcore_barrier()
        pltpu.sync_copy(acc.at[pl.ds(s * NPT, NPT)], out_hbm.at[c, pl.ds(s * NPT, NPT)])

    return agg


_sc_agg128 = _make_sc_agg(HH, HH)
_sc_agg64 = _make_sc_agg(HH, HH)



def _dinv_of(deg_blk):
    return lax.rsqrt(deg_blk[0] + deg_blk[1] + 1.0)


def _mm1_body(deg_ref, x_ref, w_ref, o_ref):
    dinv = _dinv_of(deg_ref[...])
    h = jnp.dot(x_ref[...], w_ref[...], preferred_element_type=jnp.float32)
    o_ref[...] = dinv * h


_tc_mm1 = pl.pallas_call(
    _mm1_body,
    grid=(GRID,),
    in_specs=[
        pl.BlockSpec((NC, BR, 1), lambda i: (0, i, 0)),
        pl.BlockSpec((BR, DD), lambda i: (i, 0)),
        pl.BlockSpec((DD, HH), lambda i: (0, 0)),
    ],
    out_specs=pl.BlockSpec((BR, HH), lambda i: (i, 0)),
    out_shape=jax.ShapeDtypeStruct((NN, HH), jnp.float32),
)


def _mid_body(deg_ref, s1_ref, h1_ref, b1_ref, w2_ref, o1_ref, h2_ref):
    dinv = _dinv_of(deg_ref[...])
    s1 = s1_ref[...]
    agg = dinv * (s1[0] + s1[1] + h1_ref[...])
    o1 = jnp.maximum(agg + b1_ref[...], 0.0)
    o1_ref[...] = o1
    h2 = jnp.dot(o1, w2_ref[...], preferred_element_type=jnp.float32)
    h2_ref[...] = jnp.concatenate(
        [dinv * h2, jnp.zeros((BR, HH - OO), jnp.float32)], axis=1)


_tc_mid = pl.pallas_call(
    _mid_body,
    grid=(GRID,),
    in_specs=[
        pl.BlockSpec((NC, BR, 1), lambda i: (0, i, 0)),
        pl.BlockSpec((NC, BR, HH), lambda i: (0, i, 0)),
        pl.BlockSpec((BR, HH), lambda i: (i, 0)),
        pl.BlockSpec((1, HH), lambda i: (0, 0)),
        pl.BlockSpec((HH, OO), lambda i: (0, 0)),
    ],
    out_specs=[
        pl.BlockSpec((BR, HH), lambda i: (i, 0)),
        pl.BlockSpec((BR, HH), lambda i: (i, 0)),
    ],
    out_shape=[
        jax.ShapeDtypeStruct((NN, HH), jnp.float32),
        jax.ShapeDtypeStruct((NN, HH), jnp.float32),
    ],
)


def _final_body(deg_ref, s2_ref, h2_ref, b2_ref, o_ref):
    dinv = _dinv_of(deg_ref[...])
    s2 = s2_ref[...]
    logits = (dinv * (s2[0] + s2[1] + h2_ref[...]))[:, :OO] + b2_ref[...]
    m = jnp.max(logits, axis=1, keepdims=True)
    lse = jnp.log(jnp.sum(jnp.exp(logits - m), axis=1, keepdims=True)) + m
    o_ref[...] = logits - lse


_tc_final = pl.pallas_call(
    _final_body,
    grid=(GRID,),
    in_specs=[
        pl.BlockSpec((NC, BR, 1), lambda i: (0, i, 0)),
        pl.BlockSpec((NC, BR, HH), lambda i: (0, i, 0)),
        pl.BlockSpec((BR, HH), lambda i: (i, 0)),
        pl.BlockSpec((1, OO), lambda i: (0, 0)),
    ],
    out_specs=pl.BlockSpec((BR, OO), lambda i: (i, 0)),
    out_shape=jax.ShapeDtypeStruct((NN, OO), jnp.float32),
)



@jax.jit
def kernel(x, edge_index, W1, b1, W2, b2):
    row = edge_index[0]
    col = edge_index[1]
    pad = E_PAD - EE
    tail = BLK if (CS % BLK or CF % BLK) else 0
    row2d = jnp.concatenate(
        [row, jnp.zeros((pad + tail * CH,), row.dtype)]).reshape(EC + tail, CH)
    col2d = jnp.concatenate(
        [col, jnp.full((pad + tail * CH,), DUMMY, col.dtype)]).reshape(EC + tail, CH)

    degp = _sc_deg(col2d)
    deg3 = degp.reshape(NC, N_TAB, 1)

    h1p = _tc_mm1(deg3, x, W1)
    z128 = jnp.zeros((N_TAB, HH), jnp.float32)
    s1 = _sc_agg128(h1p, row2d, col2d, z128)
    out1, h2p = _tc_mid(deg3, s1, h1p, b1.reshape(1, HH), W2)

    s2 = _sc_agg64(h2p, row2d, col2d, z128)
    out = _tc_final(deg3, s2, h2p, b2.reshape(1, OO))
    return (out, out1)

# --- scband reference (transcript-rebuilt; emitter-appended) ---
"""Pipeline reference for scband-gcnnet-36455682409090 (READ-ONLY COPY).

The authoritative reference and input builder live on the scoring server;
editing this copy changes nothing except your own understanding.
"""

import jax, jax.numpy as jnp
import numpy as np

N = 10000
E = 320000
D = 128
H = 128
O = 64


def gcn_conv(x, edge_index, W, b, n):
    # PyG GCNConv semantics: linear transform, add self-loops, symmetric
    # degree normalization, scatter-add aggregation to destination nodes.
    h = x @ W
    loops = jnp.arange(n, dtype=edge_index.dtype)
    row = jnp.concatenate([edge_index[0], loops])  # source nodes
    col = jnp.concatenate([edge_index[1], loops])  # destination nodes
    ones = jnp.ones(row.shape[0], dtype=x.dtype)
    deg = jax.ops.segment_sum(ones, col, num_segments=n)
    dinv = jnp.where(deg > 0, deg ** -0.5, 0.0).astype(x.dtype)
    norm = dinv[row] * dinv[col]
    msgs = norm[:, None] * jnp.take(h, row, axis=0)
    out = jax.ops.segment_sum(msgs, col, num_segments=n)
    return out + b


def setup_inputs(seed: int = 0) -> dict:
    key = jax.random.key(seed)
    k1, k2, k3, k4 = jax.random.split(key, 4)
    x = jax.random.normal(k1, (N, D), dtype=jnp.float32)
    edge_index = jax.random.randint(k2, (2, E), 0, N, dtype=jnp.int32)
    W1 = jax.random.normal(k3, (D, H), dtype=jnp.float32) * (1.0 / np.sqrt(D))
    b1 = jnp.zeros((H,), dtype=jnp.float32)
    W2 = jax.random.normal(k4, (H, O), dtype=jnp.float32) * (1.0 / np.sqrt(H))
    b2 = jnp.zeros((O,), dtype=jnp.float32)
    return {"x": x, "edge_index": edge_index, "W1": W1, "b1": b1, "W2": W2, "b2": b2}


def reference(x, edge_index, W1, b1, W2, b2):
    # conv1 -> relu -> (dropout is identity in eval) -> conv2 -> log_softmax
    h = jax.nn.relu(gcn_conv(x, edge_index, W1, b1, N))
    embedding = h
    logits = gcn_conv(h, edge_index, W2, b2, N)
    out = jax.nn.log_softmax(logits, axis=1)
    return (out, embedding)

if __name__ == "__main__":
    import jax
    _d = setup_inputs()
    print(jax.jit(kernel)(*tuple(_d.values())))

</pallas_src>

<mosaic_0001>
#map = affine_map<(d0, d1) -> (0, 0)>
#map1 = affine_map<(d0, d1) -> (0, 0, 0)>
module attributes {stable_mosaic.version = 14 : i64} {
  func.func @agg(%arg0: i32, %arg1: i32, %arg2: memref<10000x128xf32, #tpu.memory_space<hbm>>, %arg3: memref<2560x128xi32, #tpu.memory_space<hbm>>, %arg4: memref<2560x128xi32, #tpu.memory_space<hbm>>, %arg5: memref<10240x128xf32, #tpu.memory_space<hbm>>, %arg6: memref<2x10240x128xf32, #tpu.memory_space<hbm>>, %arg7: memref<40x128xi32, #tpu.memory_space<vmem>>, %arg8: memref<40x128xi32, #tpu.memory_space<vmem>>, %arg9: memref<128x128xf32, #tpu.memory_space<vmem>>, %arg10: memref<128x128xf32, #tpu.memory_space<vmem>>, %arg11: memref<10240x128xf32, #tpu.memory_space<vmem_shared>>, %arg12: memref<!tpu.dma_semaphore, #tpu.memory_space<semaphore_mem>>, %arg13: memref<!tpu.dma_semaphore, #tpu.memory_space<semaphore_mem>>) attributes {dimension_semantics = [#tpu.dimension_semantics<core_parallel>, #tpu.dimension_semantics<subcore_parallel>], iteration_bounds = array<i64: 2, 16>, scalar_prefetch = 0 : i64, scratch_operands = 7 : i64, tpu.core_type = #tpu.core_type<sc_vector_subcore>, window_params = [{transform_indices = #map}, {transform_indices = #map}, {transform_indices = #map}, {transform_indices = #map}, {transform_indices = #map1}]} {
    %mul3A = arith.constant 640 : i32
    %mul3A_0 = arith.muli %arg1, %mul3A : i32
    %mul3A_1 = arith.constant 640 : i32
    %mul3A_2 = arith.muli %arg1, %mul3A_1 : i32
    "tpu.region"() ({
      %run_scoped3A = tpu.sem_alloc : memref<!tpu.dma_semaphore, #tpu.memory_space<semaphore_mem>>
      %dma_start3A = arith.constant 0 : i32
      %dma_start3A_27 = tpu.memref_slice %arg11[%mul3A_2, %dma_start3A] : memref<10240x128xf32, #tpu.memory_space<vmem_shared>> -> memref<640x128xf32, #tpu.memory_space<vmem_shared>>
      %dma_start3A_28 = arith.constant 0 : i32
      %dma_start3A_29 = tpu.memref_slice %arg5[%mul3A_0, %dma_start3A_28] : memref<10240x128xf32, #tpu.memory_space<hbm>> -> memref<640x128xf32, #tpu.memory_space<hbm>>
      tpu.enqueue_dma source(%dma_start3A_29 : memref<640x128xf32, #tpu.memory_space<hbm>>) target(%dma_start3A_27 : memref<640x128xf32, #tpu.memory_space<vmem_shared>>) target_semaphore(%run_scoped3A : memref<!tpu.dma_semaphore, #tpu.memory_space<semaphore_mem>>)
      %dma_wait3A = arith.constant 0 : i32
      %dma_wait3A_30 = tpu.memref_slice %arg11[%mul3A_2, %dma_wait3A] : memref<10240x128xf32, #tpu.memory_space<vmem_shared>> -> memref<640x128xf32, #tpu.memory_space<vmem_shared>>
      %dma_wait3A_31 = arith.constant 0 : i32
      %dma_wait3A_32 = tpu.memref_slice %arg5[%mul3A_0, %dma_wait3A_31] : memref<10240x128xf32, #tpu.memory_space<hbm>> -> memref<640x128xf32, #tpu.memory_space<hbm>>
      tpu.wait_dma2 semaphore(%run_scoped3A : memref<!tpu.dma_semaphore, #tpu.memory_space<semaphore_mem>>) src(%dma_wait3A_32 : memref<640x128xf32, #tpu.memory_space<hbm>>) dst(%dma_wait3A_30 : memref<640x128xf32, #tpu.memory_space<vmem_shared>>)
      tpu.yield
    }) : () -> ()
    %barrier3A = arith.constant 0 : index
    tpu.barrier barrier_id(%barrier3A)
    %eq3A = arith.constant 0 : i32
    %eq3A_3 = arith.cmpi eq, %arg0, %eq3A : i32
    %mul3A_4 = arith.constant 120 : i32
    %mul3A_5 = arith.muli %arg1, %mul3A_4 : i32
    %mul3A_6 = arith.constant 40 : i32
    %mul3A_7 = arith.muli %arg1, %mul3A_6 : i32
    %add3A = arith.constant 1920 : i32
    %add3A_8 = arith.addi %add3A, %mul3A_7 : i32
    %select_n3A = arith.select %eq3A_3, %mul3A_5, %add3A_8 : i32
    %eq3A_9 = arith.constant 0 : i32
    %eq3A_10 = arith.cmpi eq, %arg0, %eq3A_9 : i32
    %jit3A = arith.constant 3 : i32
    %jit3A_11 = arith.constant 1 : i32
    %select_n3A_12 = arith.select %eq3A_10, %jit3A, %jit3A_11 : i32
    %while3A = arith.constant 0 : i32
    %while3A_13 = arith.constant 0 : i32
    %while3A_14 = arith.subi %select_n3A_12, %while3A_13 : i32
    %while3A_15 = arith.addi %while3A_13, %while3A_14 : i32
    %while3A_16 = arith.constant 1 : i32
    %while3A_17 = arith.divsi %while3A_14, %while3A_16 : i32
    %while3A_18 = arith.muli %while3A_17, %while3A_16 : i32
    %while3A_19 = arith.addi %while3A_13, %while3A_18 : i32
    %while3A_20 = arith.constant 1 : i32
    scf.for %while3A_27 = %while3A_13 to %while3A_19 step %while3A_20  : i32 {
      %mul3A_28 = arith.constant 40 : i32
      %mul3A_29 = arith.muli %while3A_27, %mul3A_28 : i32
      %add3A_30 = arith.addi %select_n3A, %mul3A_29 : i32
      "tpu.region"() ({
        %run_scoped3A = tpu.sem_alloc : memref<!tpu.dma_semaphore, #tpu.memory_space<semaphore_mem>>
        %dma_start3A_42 = arith.constant 0 : i32
        %dma_start3A_43 = tpu.memref_slice %arg3[%add3A_30, %dma_start3A_42] : memref<2560x128xi32, #tpu.memory_space<hbm>> -> memref<40x128xi32, #tpu.memory_space<hbm>>
        %dma_start3A_44 = arith.constant 0 : i32
        %dma_start3A_45 = tpu.memref_slice %arg3[%add3A_30, %dma_start3A_44] : memref<2560x128xi32, #tpu.memory_space<hbm>> -> memref<40x128xi32, #tpu.memory_space<hbm>>
        tpu.enqueue_dma source(%dma_start3A_45 : memref<40x128xi32, #tpu.memory_space<hbm>>) target(%arg7 : memref<40x128xi32, #tpu.memory_space<vmem>>) target_semaphore(%run_scoped3A : memref<!tpu.dma_semaphore, #tpu.memory_space<semaphore_mem>>)
        %dma_wait3A = arith.constant 0 : i32
        %dma_wait3A_46 = tpu.memref_slice %arg3[%add3A_30, %dma_wait3A] : memref<2560x128xi32, #tpu.memory_space<hbm>> -> memref<40x128xi32, #tpu.memory_space<hbm>>
        %dma_wait3A_47 = arith.constant 0 : i32
        %dma_wait3A_48 = tpu.memref_slice %arg3[%add3A_30, %dma_wait3A_47] : memref<2560x128xi32, #tpu.memory_space<hbm>> -> memref<40x128xi32, #tpu.memory_space<hbm>>
        tpu.wait_dma2 semaphore(%run_scoped3A : memref<!tpu.dma_semaphore, #tpu.memory_space<semaphore_mem>>) src(%dma_wait3A_48 : memref<40x128xi32, #tpu.memory_space<hbm>>) dst(%arg7 : memref<40x128xi32, #tpu.memory_space<vmem>>)
        tpu.yield
      }) : () -> ()
      "tpu.region"() ({
        %run_scoped3A = tpu.sem_alloc : memref<!tpu.dma_semaphore, #tpu.memory_space<semaphore_mem>>
        %dma_start3A_42 = arith.constant 0 : i32
        %dma_start3A_43 = tpu.memref_slice %arg4[%add3A_30, %dma_start3A_42] : memref<2560x128xi32, #tpu.memory_space<hbm>> -> memref<40x128xi32, #tpu.memory_space<hbm>>
        %dma_start3A_44 = arith.constant 0 : i32
        %dma_start3A_45 = tpu.memref_slice %arg4[%add3A_30, %dma_start3A_44] : memref<2560x128xi32, #tpu.memory_space<hbm>> -> memref<40x128xi32, #tpu.memory_space<hbm>>
        tpu.enqueue_dma source(%dma_start3A_45 : memref<40x128xi32, #tpu.memory_space<hbm>>) target(%arg8 : memref<40x128xi32, #tpu.memory_space<vmem>>) target_semaphore(%run_scoped3A : memref<!tpu.dma_semaphore, #tpu.memory_space<semaphore_mem>>)
        %dma_wait3A = arith.constant 0 : i32
        %dma_wait3A_46 = tpu.memref_slice %arg4[%add3A_30, %dma_wait3A] : memref<2560x128xi32, #tpu.memory_space<hbm>> -> memref<40x128xi32, #tpu.memory_space<hbm>>
        %dma_wait3A_47 = arith.constant 0 : i32
        %dma_wait3A_48 = tpu.memref_slice %arg4[%add3A_30, %dma_wait3A_47] : memref<2560x128xi32, #tpu.memory_space<hbm>> -> memref<40x128xi32, #tpu.memory_space<hbm>>
        tpu.wait_dma2 semaphore(%run_scoped3A : memref<!tpu.dma_semaphore, #tpu.memory_space<semaphore_mem>>) src(%dma_wait3A_48 : memref<40x128xi32, #tpu.memory_space<hbm>>) dst(%arg8 : memref<40x128xi32, #tpu.memory_space<vmem>>)
        tpu.yield
      }) : () -> ()
      %dma_start3A = arith.constant 0 : i32
      %dma_start3A_31 = arith.constant 0 : i32
      %dma_start3A_32 = tpu.memref_slice %arg7[%dma_start3A, %dma_start3A_31] : memref<40x128xi32, #tpu.memory_space<vmem>> -> memref<1x128xi32, #tpu.memory_space<vmem>>
      %dma_start3A_33 = tpu.memref_squeeze %dma_start3A_32 : memref<1x128xi32, #tpu.memory_space<vmem>> -> memref<128xi32, #tpu.memory_space<vmem>>
      %dma_start3A_34 = arith.constant 0 : i32
      %dma_start3A_35 = arith.constant 0 : i32
      %dma_start3A_36 = tpu.memref_slice %arg2[%dma_start3A_34, %dma_start3A_35] : memref<10000x128xf32, #tpu.memory_space<hbm>> -> memref<10000x128xf32, #tpu.memory_space<hbm>>
      tpu.enqueue_indirect_dma source(%dma_start3A_36 : memref<10000x128xf32, #tpu.memory_space<hbm>>) target(%arg9 : memref<128x128xf32, #tpu.memory_space<vmem>>) offsets(%dma_start3A_33 : memref<128xi32, #tpu.memory_space<vmem>>) semaphore(%arg12 : memref<!tpu.dma_semaphore, #tpu.memory_space<semaphore_mem>>)
      %scan3A = arith.constant 0 : i32
      %scan3A_37 = arith.constant 0 : i32
      %scan3A_38 = arith.constant 20 : i32
      %scan3A_39 = arith.addi %scan3A_37, %scan3A_38 : i32
      %scan3A_40 = arith.constant 1 : i32
      scf.for %scan3A_42 = %scan3A_37 to %scan3A_39 step %scan3A_40  : i32 {
        %mul3A_43 = arith.constant 2 : i32
        %mul3A_44 = arith.muli %mul3A_43, %scan3A_42 : i32
        %add3A_45 = arith.constant 1 : i32
        %add3A_46 = arith.addi %mul3A_44, %add3A_45 : i32
        %dma_wait3A = arith.constant 0 : i32
        %dma_wait3A_47 = tpu.memref_slice %arg7[%mul3A_44, %dma_wait3A] : memref<40x128xi32, #tpu.memory_space<vmem>> -> memref<1x128xi32, #tpu.memory_space<vmem>>
        %dma_wait3A_48 = tpu.memref_squeeze %dma_wait3A_47 : memref<1x128xi32, #tpu.memory_space<vmem>> -> memref<128xi32, #tpu.memory_space<vmem>>
        %dma_wait3A_49 = arith.constant 0 : i32
        %dma_wait3A_50 = arith.constant 0 : i32
        %dma_wait3A_51 = tpu.memref_slice %arg2[%dma_wait3A_49, %dma_wait3A_50] : memref<10000x128xf32, #tpu.memory_space<hbm>> -> memref<10000x128xf32, #tpu.memory_space<hbm>>
        tpu.wait_indirect_dma semaphore(%arg12 : memref<!tpu.dma_semaphore, #tpu.memory_space<semaphore_mem>>) src(%dma_wait3A_51 : memref<10000x128xf32, #tpu.memory_space<hbm>>) dst(%arg9 : memref<128x128xf32, #tpu.memory_space<vmem>>)
        %dma_start3A_52 = arith.constant 0 : i32
        %dma_start3A_53 = tpu.memref_slice %arg7[%add3A_46, %dma_start3A_52] : memref<40x128xi32, #tpu.memory_space<vmem>> -> memref<1x128xi32, #tpu.memory_space<vmem>>
        %dma_start3A_54 = tpu.memref_squeeze %dma_start3A_53 : memref<1x128xi32, #tpu.memory_space<vmem>> -> memref<128xi32, #tpu.memory_space<vmem>>
        %dma_start3A_55 = arith.constant 0 : i32
        %dma_start3A_56 = arith.constant 0 : i32
        %dma_start3A_57 = tpu.memref_slice %arg2[%dma_start3A_55, %dma_start3A_56] : memref<10000x128xf32, #tpu.memory_space<hbm>> -> memref<10000x128xf32, #tpu.memory_space<hbm>>
        tpu.enqueue_indirect_dma source(%dma_start3A_57 : memref<10000x128xf32, #tpu.memory_space<hbm>>) target(%arg10 : memref<128x128xf32, #tpu.memory_space<vmem>>) offsets(%dma_start3A_54 : memref<128xi32, #tpu.memory_space<vmem>>) semaphore(%arg13 : memref<!tpu.dma_semaphore, #tpu.memory_space<semaphore_mem>>)
        "tpu.region"() ({
          %run_scoped3A = tpu.sem_alloc : memref<!tpu.dma_semaphore, #tpu.memory_space<semaphore_mem>>
          %dma_start3A_66 = arith.constant 0 : i32
          %dma_start3A_67 = tpu.memref_slice %arg8[%mul3A_44, %dma_start3A_66] : memref<40x128xi32, #tpu.memory_space<vmem>> -> memref<1x128xi32, #tpu.memory_space<vmem>>
          %dma_start3A_68 = tpu.memref_squeeze %dma_start3A_67 : memref<1x128xi32, #tpu.memory_space<vmem>> -> memref<128xi32, #tpu.memory_space<vmem>>
          %dma_start3A_69 = arith.constant 0 : i32
          %dma_start3A_70 = arith.constant 0 : i32
          %dma_start3A_71 = tpu.memref_slice %arg11[%dma_start3A_69, %dma_start3A_70] : memref<10240x128xf32, #tpu.memory_space<vmem_shared>> -> memref<10240x128xf32, #tpu.memory_space<vmem_shared>>
          tpu.enqueue_indirect_dma source(%arg9 : memref<128x128xf32, #tpu.memory_space<vmem>>) target(%dma_start3A_71 : memref<10240x128xf32, #tpu.memory_space<vmem_shared>>) offsets(%dma_start3A_68 : memref<128xi32, #tpu.memory_space<vmem>>) semaphore(%run_scoped3A : memref<!tpu.dma_semaphore, #tpu.memory_space<semaphore_mem>>) {add = true}
          %dma_wait3A_72 = arith.constant 0 : i32
          %dma_wait3A_73 = tpu.memref_slice %arg8[%mul3A_44, %dma_wait3A_72] : memref<40x128xi32, #tpu.memory_space<vmem>> -> memref<1x128xi32, #tpu.memory_space<vmem>>
          %dma_wait3A_74 = tpu.memref_squeeze %dma_wait3A_73 : memref<1x128xi32, #tpu.memory_space<vmem>> -> memref<128xi32, #tpu.memory_space<vmem>>
          %dma_wait3A_75 = arith.constant 0 : i32
          %dma_wait3A_76 = arith.constant 0 : i32
          %dma_wait3A_77 = tpu.memref_slice %arg11[%dma_wait3A_75, %dma_wait3A_76] : memref<10240x128xf32, #tpu.memory_space<vmem_shared>> -> memref<10240x128xf32, #tpu.memory_space<vmem_shared>>
          tpu.wait_indirect_dma semaphore(%run_scoped3A : memref<!tpu.dma_semaphore, #tpu.memory_space<semaphore_mem>>) src(%arg9 : memref<128x128xf32, #tpu.memory_space<vmem>>) dst(%dma_wait3A_77 : memref<10240x128xf32, #tpu.memory_space<vmem_shared>>)
          tpu.yield
        }) : () -> ()
        %dma_wait3A_58 = arith.constant 0 : i32
        %dma_wait3A_59 = tpu.memref_slice %arg7[%add3A_46, %dma_wait3A_58] : memref<40x128xi32, #tpu.memory_space<vmem>> -> memref<1x128xi32, #tpu.memory_space<vmem>>
        %dma_wait3A_60 = tpu.memref_squeeze %dma_wait3A_59 : memref<1x128xi32, #tpu.memory_space<vmem>> -> memref<128xi32, #tpu.memory_space<vmem>>
        %dma_wait3A_61 = arith.constant 0 : i32
        %dma_wait3A_62 = arith.constant 0 : i32
        %dma_wait3A_63 = tpu.memref_slice %arg2[%dma_wait3A_61, %dma_wait3A_62] : memref<10000x128xf32, #tpu.memory_space<hbm>> -> memref<10000x128xf32, #tpu.memory_space<hbm>>
        tpu.wait_indirect_dma semaphore(%arg13 : memref<!tpu.dma_semaphore, #tpu.memory_space<semaphore_mem>>) src(%dma_wait3A_63 : memref<10000x128xf32, #tpu.memory_space<hbm>>) dst(%arg10 : memref<128x128xf32, #tpu.memory_space<vmem>>)
        %lt3A = arith.constant 19 : i32
        %lt3A_64 = arith.cmpi slt, %scan3A_42, %lt3A : i32
        %convert_element_type3A = arith.extui %lt3A_64 : i1 to i32
        %cond3A = arith.constant 0 : i32
        %cond3A_65 = arith.cmpi ne, %convert_element_type3A, %cond3A : i32
        scf.if %cond3A_65 {
          %add3A_66 = arith.constant 2 : i32
          %add3A_67 = arith.addi %mul3A_44, %add3A_66 : i32
          %dma_start3A_68 = arith.constant 0 : i32
          %dma_start3A_69 = tpu.memref_slice %arg7[%add3A_67, %dma_start3A_68] : memref<40x128xi32, #tpu.memory_space<vmem>> -> memref<1x128xi32, #tpu.memory_space<vmem>>
          %dma_start3A_70 = tpu.memref_squeeze %dma_start3A_69 : memref<1x128xi32, #tpu.memory_space<vmem>> -> memref<128xi32, #tpu.memory_space<vmem>>
          %dma_start3A_71 = arith.constant 0 : i32
          %dma_start3A_72 = arith.constant 0 : i32
          %dma_start3A_73 = tpu.memref_slice %arg2[%dma_start3A_71, %dma_start3A_72] : memref<10000x128xf32, #tpu.memory_space<hbm>> -> memref<10000x128xf32, #tpu.memory_space<hbm>>
          tpu.enqueue_indirect_dma source(%dma_start3A_73 : memref<10000x128xf32, #tpu.memory_space<hbm>>) target(%arg9 : memref<128x128xf32, #tpu.memory_space<vmem>>) offsets(%dma_start3A_70 : memref<128xi32, #tpu.memory_space<vmem>>) semaphore(%arg12 : memref<!tpu.dma_semaphore, #tpu.memory_space<semaphore_mem>>)
        } else {
        }
        "tpu.region"() ({
          %run_scoped3A = tpu.sem_alloc : memref<!tpu.dma_semaphore, #tpu.memory_space<semaphore_mem>>
          %dma_start3A_66 = arith.constant 0 : i32
          %dma_start3A_67 = tpu.memref_slice %arg8[%add3A_46, %dma_start3A_66] : memref<40x128xi32, #tpu.memory_space<vmem>> -> memref<1x128xi32, #tpu.memory_space<vmem>>
          %dma_start3A_68 = tpu.memref_squeeze %dma_start3A_67 : memref<1x128xi32, #tpu.memory_space<vmem>> -> memref<128xi32, #tpu.memory_space<vmem>>
          %dma_start3A_69 = arith.constant 0 : i32
          %dma_start3A_70 = arith.constant 0 : i32
          %dma_start3A_71 = tpu.memref_slice %arg11[%dma_start3A_69, %dma_start3A_70] : memref<10240x128xf32, #tpu.memory_space<vmem_shared>> -> memref<10240x128xf32, #tpu.memory_space<vmem_shared>>
          tpu.enqueue_indirect_dma source(%arg10 : memref<128x128xf32, #tpu.memory_space<vmem>>) target(%dma_start3A_71 : memref<10240x128xf32, #tpu.memory_space<vmem_shared>>) offsets(%dma_start3A_68 : memref<128xi32, #tpu.memory_space<vmem>>) semaphore(%run_scoped3A : memref<!tpu.dma_semaphore, #tpu.memory_space<semaphore_mem>>) {add = true}
          %dma_wait3A_72 = arith.constant 0 : i32
          %dma_wait3A_73 = tpu.memref_slice %arg8[%add3A_46, %dma_wait3A_72] : memref<40x128xi32, #tpu.memory_space<vmem>> -> memref<1x128xi32, #tpu.memory_space<vmem>>
          %dma_wait3A_74 = tpu.memref_squeeze %dma_wait3A_73 : memref<1x128xi32, #tpu.memory_space<vmem>> -> memref<128xi32, #tpu.memory_space<vmem>>
          %dma_wait3A_75 = arith.constant 0 : i32
          %dma_wait3A_76 = arith.constant 0 : i32
          %dma_wait3A_77 = tpu.memref_slice %arg11[%dma_wait3A_75, %dma_wait3A_76] : memref<10240x128xf32, #tpu.memory_space<vmem_shared>> -> memref<10240x128xf32, #tpu.memory_space<vmem_shared>>
          tpu.wait_indirect_dma semaphore(%run_scoped3A : memref<!tpu.dma_semaphore, #tpu.memory_space<semaphore_mem>>) src(%arg10 : memref<128x128xf32, #tpu.memory_space<vmem>>) dst(%dma_wait3A_77 : memref<10240x128xf32, #tpu.memory_space<vmem_shared>>)
          tpu.yield
        }) : () -> ()
      }
      %scan3A_41 = arith.constant 20 : i32
    }
    %while3A_21 = arith.constant 1 : i32
    scf.for %while3A_27 = %while3A_19 to %while3A_15 step %while3A_21  : i32 {
      %mul3A_28 = arith.constant 40 : i32
      %mul3A_29 = arith.muli %while3A_27, %mul3A_28 : i32
      %add3A_30 = arith.addi %select_n3A, %mul3A_29 : i32
      "tpu.region"() ({
        %run_scoped3A = tpu.sem_alloc : memref<!tpu.dma_semaphore, #tpu.memory_space<semaphore_mem>>
        %dma_start3A_42 = arith.constant 0 : i32
        %dma_start3A_43 = tpu.memref_slice %arg3[%add3A_30, %dma_start3A_42] : memref<2560x128xi32, #tpu.memory_space<hbm>> -> memref<40x128xi32, #tpu.memory_space<hbm>>
        %dma_start3A_44 = arith.constant 0 : i32
        %dma_start3A_45 = tpu.memref_slice %arg3[%add3A_30, %dma_start3A_44] : memref<2560x128xi32, #tpu.memory_space<hbm>> -> memref<40x128xi32, #tpu.memory_space<hbm>>
        tpu.enqueue_dma source(%dma_start3A_45 : memref<40x128xi32, #tpu.memory_space<hbm>>) target(%arg7 : memref<40x128xi32, #tpu.memory_space<vmem>>) target_semaphore(%run_scoped3A : memref<!tpu.dma_semaphore, #tpu.memory_space<semaphore_mem>>)
        %dma_wait3A = arith.constant 0 : i32
        %dma_wait3A_46 = tpu.memref_slice %arg3[%add3A_30, %dma_wait3A] : memref<2560x128xi32, #tpu.memory_space<hbm>> -> memref<40x128xi32, #tpu.memory_space<hbm>>
        %dma_wait3A_47 = arith.constant 0 : i32
        %dma_wait3A_48 = tpu.memref_slice %arg3[%add3A_30, %dma_wait3A_47] : memref<2560x128xi32, #tpu.memory_space<hbm>> -> memref<40x128xi32, #tpu.memory_space<hbm>>
        tpu.wait_dma2 semaphore(%run_scoped3A : memref<!tpu.dma_semaphore, #tpu.memory_space<semaphore_mem>>) src(%dma_wait3A_48 : memref<40x128xi32, #tpu.memory_space<hbm>>) dst(%arg7 : memref<40x128xi32, #tpu.memory_space<vmem>>)
        tpu.yield
      }) : () -> ()
      "tpu.region"() ({
        %run_scoped3A = tpu.sem_alloc : memref<!tpu.dma_semaphore, #tpu.memory_space<semaphore_mem>>
        %dma_start3A_42 = arith.constant 0 : i32
        %dma_start3A_43 = tpu.memref_slice %arg4[%add3A_30, %dma_start3A_42] : memref<2560x128xi32, #tpu.memory_space<hbm>> -> memref<40x128xi32, #tpu.memory_space<hbm>>
        %dma_start3A_44 = arith.constant 0 : i32
        %dma_start3A_45 = tpu.memref_slice %arg4[%add3A_30, %dma_start3A_44] : memref<2560x128xi32, #tpu.memory_space<hbm>> -> memref<40x128xi32, #tpu.memory_space<hbm>>
        tpu.enqueue_dma source(%dma_start3A_45 : memref<40x128xi32, #tpu.memory_space<hbm>>) target(%arg8 : memref<40x128xi32, #tpu.memory_space<vmem>>) target_semaphore(%run_scoped3A : memref<!tpu.dma_semaphore, #tpu.memory_space<semaphore_mem>>)
        %dma_wait3A = arith.constant 0 : i32
        %dma_wait3A_46 = tpu.memref_slice %arg4[%add3A_30, %dma_wait3A] : memref<2560x128xi32, #tpu.memory_space<hbm>> -> memref<40x128xi32, #tpu.memory_space<hbm>>
        %dma_wait3A_47 = arith.constant 0 : i32
        %dma_wait3A_48 = tpu.memref_slice %arg4[%add3A_30, %dma_wait3A_47] : memref<2560x128xi32, #tpu.memory_space<hbm>> -> memref<40x128xi32, #tpu.memory_space<hbm>>
        tpu.wait_dma2 semaphore(%run_scoped3A : memref<!tpu.dma_semaphore, #tpu.memory_space<semaphore_mem>>) src(%dma_wait3A_48 : memref<40x128xi32, #tpu.memory_space<hbm>>) dst(%arg8 : memref<40x128xi32, #tpu.memory_space<vmem>>)
        tpu.yield
      }) : () -> ()
      %dma_start3A = arith.constant 0 : i32
      %dma_start3A_31 = arith.constant 0 : i32
      %dma_start3A_32 = tpu.memref_slice %arg7[%dma_start3A, %dma_start3A_31] : memref<40x128xi32, #tpu.memory_space<vmem>> -> memref<1x128xi32, #tpu.memory_space<vmem>>
      %dma_start3A_33 = tpu.memref_squeeze %dma_start3A_32 : memref<1x128xi32, #tpu.memory_space<vmem>> -> memref<128xi32, #tpu.memory_space<vmem>>
      %dma_start3A_34 = arith.constant 0 : i32
      %dma_start3A_35 = arith.constant 0 : i32
      %dma_start3A_36 = tpu.memref_slice %arg2[%dma_start3A_34, %dma_start3A_35] : memref<10000x128xf32, #tpu.memory_space<hbm>> -> memref<10000x128xf32, #tpu.memory_space<hbm>>
      tpu.enqueue_indirect_dma source(%dma_start3A_36 : memref<10000x128xf32, #tpu.memory_space<hbm>>) target(%arg9 : memref<128x128xf32, #tpu.memory_space<vmem>>) offsets(%dma_start3A_33 : memref<128xi32, #tpu.memory_space<vmem>>) semaphore(%arg12 : memref<!tpu.dma_semaphore, #tpu.memory_space<semaphore_mem>>)
      %scan3A = arith.constant 0 : i32
      %scan3A_37 = arith.constant 0 : i32
      %scan3A_38 = arith.constant 20 : i32
      %scan3A_39 = arith.addi %scan3A_37, %scan3A_38 : i32
      %scan3A_40 = arith.constant 1 : i32
      scf.for %scan3A_42 = %scan3A_37 to %scan3A_39 step %scan3A_40  : i32 {
        %mul3A_43 = arith.constant 2 : i32
        %mul3A_44 = arith.muli %mul3A_43, %scan3A_42 : i32
        %add3A_45 = arith.constant 1 : i32
        %add3A_46 = arith.addi %mul3A_44, %add3A_45 : i32
        %dma_wait3A = arith.constant 0 : i32
        %dma_wait3A_47 = tpu.memref_slice %arg7[%mul3A_44, %dma_wait3A] : memref<40x128xi32, #tpu.memory_space<vmem>> -> memref<1x128xi32, #tpu.memory_space<vmem>>
        %dma_wait3A_48 = tpu.memref_squeeze %dma_wait3A_47 : memref<1x128xi32, #tpu.memory_space<vmem>> -> memref<128xi32, #tpu.memory_space<vmem>>
        %dma_wait3A_49 = arith.constant 0 : i32
        %dma_wait3A_50 = arith.constant 0 : i32
        %dma_wait3A_51 = tpu.memref_slice %arg2[%dma_wait3A_49, %dma_wait3A_50] : memref<10000x128xf32, #tpu.memory_space<hbm>> -> memref<10000x128xf32, #tpu.memory_space<hbm>>
        tpu.wait_indirect_dma semaphore(%arg12 : memref<!tpu.dma_semaphore, #tpu.memory_space<semaphore_mem>>) src(%dma_wait3A_51 : memref<10000x128xf32, #tpu.memory_space<hbm>>) dst(%arg9 : memref<128x128xf32, #tpu.memory_space<vmem>>)
        %dma_start3A_52 = arith.constant 0 : i32
        %dma_start3A_53 = tpu.memref_slice %arg7[%add3A_46, %dma_start3A_52] : memref<40x128xi32, #tpu.memory_space<vmem>> -> memref<1x128xi32, #tpu.memory_space<vmem>>
        %dma_start3A_54 = tpu.memref_squeeze %dma_start3A_53 : memref<1x128xi32, #tpu.memory_space<vmem>> -> memref<128xi32, #tpu.memory_space<vmem>>
        %dma_start3A_55 = arith.constant 0 : i32
        %dma_start3A_56 = arith.constant 0 : i32
        %dma_start3A_57 = tpu.memref_slice %arg2[%dma_start3A_55, %dma_start3A_56] : memref<10000x128xf32, #tpu.memory_space<hbm>> -> memref<10000x128xf32, #tpu.memory_space<hbm>>
        tpu.enqueue_indirect_dma source(%dma_start3A_57 : memref<10000x128xf32, #tpu.memory_space<hbm>>) target(%arg10 : memref<128x128xf32, #tpu.memory_space<vmem>>) offsets(%dma_start3A_54 : memref<128xi32, #tpu.memory_space<vmem>>) semaphore(%arg13 : memref<!tpu.dma_semaphore, #tpu.memory_space<semaphore_mem>>)
        "tpu.region"() ({
          %run_scoped3A = tpu.sem_alloc : memref<!tpu.dma_semaphore, #tpu.memory_space<semaphore_mem>>
          %dma_start3A_66 = arith.constant 0 : i32
          %dma_start3A_67 = tpu.memref_slice %arg8[%mul3A_44, %dma_start3A_66] : memref<40x128xi32, #tpu.memory_space<vmem>> -> memref<1x128xi32, #tpu.memory_space<vmem>>
          %dma_start3A_68 = tpu.memref_squeeze %dma_start3A_67 : memref<1x128xi32, #tpu.memory_space<vmem>> -> memref<128xi32, #tpu.memory_space<vmem>>
          %dma_start3A_69 = arith.constant 0 : i32
          %dma_start3A_70 = arith.constant 0 : i32
          %dma_start3A_71 = tpu.memref_slice %arg11[%dma_start3A_69, %dma_start3A_70] : memref<10240x128xf32, #tpu.memory_space<vmem_shared>> -> memref<10240x128xf32, #tpu.memory_space<vmem_shared>>
          tpu.enqueue_indirect_dma source(%arg9 : memref<128x128xf32, #tpu.memory_space<vmem>>) target(%dma_start3A_71 : memref<10240x128xf32, #tpu.memory_space<vmem_shared>>) offsets(%dma_start3A_68 : memref<128xi32, #tpu.memory_space<vmem>>) semaphore(%run_scoped3A : memref<!tpu.dma_semaphore, #tpu.memory_space<semaphore_mem>>) {add = true}
          %dma_wait3A_72 = arith.constant 0 : i32
          %dma_wait3A_73 = tpu.memref_slice %arg8[%mul3A_44, %dma_wait3A_72] : memref<40x128xi32, #tpu.memory_space<vmem>> -> memref<1x128xi32, #tpu.memory_space<vmem>>
          %dma_wait3A_74 = tpu.memref_squeeze %dma_wait3A_73 : memref<1x128xi32, #tpu.memory_space<vmem>> -> memref<128xi32, #tpu.memory_space<vmem>>
          %dma_wait3A_75 = arith.constant 0 : i32
          %dma_wait3A_76 = arith.constant 0 : i32
          %dma_wait3A_77 = tpu.memref_slice %arg11[%dma_wait3A_75, %dma_wait3A_76] : memref<10240x128xf32, #tpu.memory_space<vmem_shared>> -> memref<10240x128xf32, #tpu.memory_space<vmem_shared>>
          tpu.wait_indirect_dma semaphore(%run_scoped3A : memref<!tpu.dma_semaphore, #tpu.memory_space<semaphore_mem>>) src(%arg9 : memref<128x128xf32, #tpu.memory_space<vmem>>) dst(%dma_wait3A_77 : memref<10240x128xf32, #tpu.memory_space<vmem_shared>>)
          tpu.yield
        }) : () -> ()
        %dma_wait3A_58 = arith.constant 0 : i32
        %dma_wait3A_59 = tpu.memref_slice %arg7[%add3A_46, %dma_wait3A_58] : memref<40x128xi32, #tpu.memory_space<vmem>> -> memref<1x128xi32, #tpu.memory_space<vmem>>
        %dma_wait3A_60 = tpu.memref_squeeze %dma_wait3A_59 : memref<1x128xi32, #tpu.memory_space<vmem>> -> memref<128xi32, #tpu.memory_space<vmem>>
        %dma_wait3A_61 = arith.constant 0 : i32
        %dma_wait3A_62 = arith.constant 0 : i32
        %dma_wait3A_63 = tpu.memref_slice %arg2[%dma_wait3A_61, %dma_wait3A_62] : memref<10000x128xf32, #tpu.memory_space<hbm>> -> memref<10000x128xf32, #tpu.memory_space<hbm>>
        tpu.wait_indirect_dma semaphore(%arg13 : memref<!tpu.dma_semaphore, #tpu.memory_space<semaphore_mem>>) src(%dma_wait3A_63 : memref<10000x128xf32, #tpu.memory_space<hbm>>) dst(%arg10 : memref<128x128xf32, #tpu.memory_space<vmem>>)
        %lt3A = arith.constant 19 : i32
        %lt3A_64 = arith.cmpi slt, %scan3A_42, %lt3A : i32
        %convert_element_type3A = arith.extui %lt3A_64 : i1 to i32
        %cond3A = arith.constant 0 : i32
        %cond3A_65 = arith.cmpi ne, %convert_element_type3A, %cond3A : i32
        scf.if %cond3A_65 {
          %add3A_66 = arith.constant 2 : i32
          %add3A_67 = arith.addi %mul3A_44, %add3A_66 : i32
          %dma_start3A_68 = arith.constant 0 : i32
          %dma_start3A_69 = tpu.memref_slice %arg7[%add3A_67, %dma_start3A_68] : memref<40x128xi32, #tpu.memory_space<vmem>> -> memref<1x128xi32, #tpu.memory_space<vmem>>
          %dma_start3A_70 = tpu.memref_squeeze %dma_start3A_69 : memref<1x128xi32, #tpu.memory_space<vmem>> -> memref<128xi32, #tpu.memory_space<vmem>>
          %dma_start3A_71 = arith.constant 0 : i32
          %dma_start3A_72 = arith.constant 0 : i32
          %dma_start3A_73 = tpu.memref_slice %arg2[%dma_start3A_71, %dma_start3A_72] : memref<10000x128xf32, #tpu.memory_space<hbm>> -> memref<10000x128xf32, #tpu.memory_space<hbm>>
          tpu.enqueue_indirect_dma source(%dma_start3A_73 : memref<10000x128xf32, #tpu.memory_space<hbm>>) target(%arg9 : memref<128x128xf32, #tpu.memory_space<vmem>>) offsets(%dma_start3A_70 : memref<128xi32, #tpu.memory_space<vmem>>) semaphore(%arg12 : memref<!tpu.dma_semaphore, #tpu.memory_space<semaphore_mem>>)
        } else {
        }
        "tpu.region"() ({
          %run_scoped3A = tpu.sem_alloc : memref<!tpu.dma_semaphore, #tpu.memory_space<semaphore_mem>>
          %dma_start3A_66 = arith.constant 0 : i32
          %dma_start3A_67 = tpu.memref_slice %arg8[%add3A_46, %dma_start3A_66] : memref<40x128xi32, #tpu.memory_space<vmem>> -> memref<1x128xi32, #tpu.memory_space<vmem>>
          %dma_start3A_68 = tpu.memref_squeeze %dma_start3A_67 : memref<1x128xi32, #tpu.memory_space<vmem>> -> memref<128xi32, #tpu.memory_space<vmem>>
          %dma_start3A_69 = arith.constant 0 : i32
          %dma_start3A_70 = arith.constant 0 : i32
          %dma_start3A_71 = tpu.memref_slice %arg11[%dma_start3A_69, %dma_start3A_70] : memref<10240x128xf32, #tpu.memory_space<vmem_shared>> -> memref<10240x128xf32, #tpu.memory_space<vmem_shared>>
          tpu.enqueue_indirect_dma source(%arg10 : memref<128x128xf32, #tpu.memory_space<vmem>>) target(%dma_start3A_71 : memref<10240x128xf32, #tpu.memory_space<vmem_shared>>) offsets(%dma_start3A_68 : memref<128xi32, #tpu.memory_space<vmem>>) semaphore(%run_scoped3A : memref<!tpu.dma_semaphore, #tpu.memory_space<semaphore_mem>>) {add = true}
          %dma_wait3A_72 = arith.constant 0 : i32
          %dma_wait3A_73 = tpu.memref_slice %arg8[%add3A_46, %dma_wait3A_72] : memref<40x128xi32, #tpu.memory_space<vmem>> -> memref<1x128xi32, #tpu.memory_space<vmem>>
          %dma_wait3A_74 = tpu.memref_squeeze %dma_wait3A_73 : memref<1x128xi32, #tpu.memory_space<vmem>> -> memref<128xi32, #tpu.memory_space<vmem>>
          %dma_wait3A_75 = arith.constant 0 : i32
          %dma_wait3A_76 = arith.constant 0 : i32
          %dma_wait3A_77 = tpu.memref_slice %arg11[%dma_wait3A_75, %dma_wait3A_76] : memref<10240x128xf32, #tpu.memory_space<vmem_shared>> -> memref<10240x128xf32, #tpu.memory_space<vmem_shared>>
          tpu.wait_indirect_dma semaphore(%run_scoped3A : memref<!tpu.dma_semaphore, #tpu.memory_space<semaphore_mem>>) src(%arg10 : memref<128x128xf32, #tpu.memory_space<vmem>>) dst(%dma_wait3A_77 : memref<10240x128xf32, #tpu.memory_space<vmem_shared>>)
          tpu.yield
        }) : () -> ()
      }
      %scan3A_41 = arith.constant 20 : i32
    }
    %barrier3A_22 = arith.constant 0 : index
    tpu.barrier barrier_id(%barrier3A_22)
    %mul3A_23 = arith.constant 640 : i32
    %mul3A_24 = arith.muli %arg1, %mul3A_23 : i32
    %mul3A_25 = arith.constant 640 : i32
    %mul3A_26 = arith.muli %arg1, %mul3A_25 : i32
    "tpu.region"() ({
      %run_scoped3A = tpu.sem_alloc : memref<!tpu.dma_semaphore, #tpu.memory_space<semaphore_mem>>
      %dma_start3A = arith.constant 0 : i32
      %dma_start3A_27 = tpu.memref_slice %arg6[%arg0, %mul3A_26, %dma_start3A] : memref<2x10240x128xf32, #tpu.memory_space<hbm>> -> memref<1x640x128xf32, #tpu.memory_space<hbm>>
      %dma_start3A_28 = tpu.memref_squeeze %dma_start3A_27 : memref<1x640x128xf32, #tpu.memory_space<hbm>> -> memref<640x128xf32, #tpu.memory_space<hbm>>
      %dma_start3A_29 = arith.constant 0 : i32
      %dma_start3A_30 = tpu.memref_slice %arg11[%mul3A_24, %dma_start3A_29] : memref<10240x128xf32, #tpu.memory_space<vmem_shared>> -> memref<640x128xf32, #tpu.memory_space<vmem_shared>>
      tpu.enqueue_dma source(%dma_start3A_30 : memref<640x128xf32, #tpu.memory_space<vmem_shared>>) target(%dma_start3A_28 : memref<640x128xf32, #tpu.memory_space<hbm>>) target_semaphore(%run_scoped3A : memref<!tpu.dma_semaphore, #tpu.memory_space<semaphore_mem>>)
      %dma_wait3A = arith.constant 0 : i32
      %dma_wait3A_31 = tpu.memref_slice %arg6[%arg0, %mul3A_26, %dma_wait3A] : memref<2x10240x128xf32, #tpu.memory_space<hbm>> -> memref<1x640x128xf32, #tpu.memory_space<hbm>>
      %dma_wait3A_32 = tpu.memref_squeeze %dma_wait3A_31 : memref<1x640x128xf32, #tpu.memory_space<hbm>> -> memref<640x128xf32, #tpu.memory_space<hbm>>
      %dma_wait3A_33 = arith.constant 0 : i32
      %dma_wait3A_34 = tpu.memref_slice %arg11[%mul3A_24, %dma_wait3A_33] : memref<10240x128xf32, #tpu.memory_space<vmem_shared>> -> memref<640x128xf32, #tpu.memory_space<vmem_shared>>
      tpu.wait_dma2 semaphore(%run_scoped3A : memref<!tpu.dma_semaphore, #tpu.memory_space<semaphore_mem>>) src(%dma_wait3A_34 : memref<640x128xf32, #tpu.memory_space<vmem_shared>>) dst(%dma_wait3A_32 : memref<640x128xf32, #tpu.memory_space<hbm>>)
      tpu.yield
    }) : () -> ()
    return
  }
}

#map = affine_map<(d0, d1) -> (0, 0)>
module attributes {stable_mosaic.version = 14 : i64} {
  func.func @_sc_deg(%arg0: i32, %arg1: i32, %arg2: memref<2560x128xi32, #tpu.memory_space<hbm>>, %arg3: memref<2x10240xf32, #tpu.memory_space<hbm>>, %arg4: memref<80x128xi32, #tpu.memory_space<vmem>>, %arg5: memref<128xf32, #tpu.memory_space<vmem>>, %arg6: memref<640xf32, #tpu.memory_space<vmem>>, %arg7: memref<10240xf32, #tpu.memory_space<vmem_shared>>) attributes {dimension_semantics = [#tpu.dimension_semantics<core_parallel>, #tpu.dimension_semantics<subcore_parallel>], iteration_bounds = array<i64: 2, 16>, scalar_prefetch = 0 : i64, scratch_operands = 4 : i64, tpu.core_type = #tpu.core_type<sc_vector_subcore>, window_params = [{transform_indices = #map}, {transform_indices = #map}]} {
    %mul3A = arith.constant 16 : i32
    %mul3A_0 = arith.muli %arg0, %mul3A : i32
    %add3A = arith.addi %mul3A_0, %arg1 : i32
    %scan3A = arith.constant 0 : i32
    %scan3A_1 = arith.constant 0 : i32
    %scan3A_2 = arith.constant 40 : i32
    %scan3A_3 = arith.addi %scan3A_1, %scan3A_2 : i32
    %scan3A_4 = arith.constant 1 : i32
    scf.for %scan3A_27 = %scan3A_1 to %scan3A_3 step %scan3A_4  : i32 {
      %broadcast_in_dim3A = arith.constant 0.000000e+00 : f32
      %broadcast_in_dim3A_28 = vector.broadcast %broadcast_in_dim3A : f32 to vector<16xf32>
      %mul3A_29 = arith.constant 16 : i32
      %mul3A_30 = arith.muli %scan3A_27, %mul3A_29 : i32
      %swap3A = arith.index_cast %mul3A_30 : i32 to index
      %swap3A_31 = tpu.vector_load %arg6[%swap3A] {strides = array<i32>} : memref<640xf32, #tpu.memory_space<vmem>>, vector<16xf32>,
      %swap3A_32 = vector.shape_cast %swap3A_31 : vector<16xf32> to vector<16xf32>
      %swap3A_33 = vector.shape_cast %broadcast_in_dim3A_28 : vector<16xf32> to vector<16xf32>
      tpu.vector_store %arg6[%swap3A], %swap3A_33 {strides = array<i32>} : memref<640xf32, #tpu.memory_space<vmem>>, vector<16xf32>,
    }
    %scan3A_5 = arith.constant 40 : i32
    %scan3A_6 = arith.constant 0 : i32
    %scan3A_7 = arith.constant 0 : i32
    %scan3A_8 = arith.constant 8 : i32
    %scan3A_9 = arith.addi %scan3A_7, %scan3A_8 : i32
    %scan3A_10 = arith.constant 1 : i32
    scf.for %scan3A_27 = %scan3A_7 to %scan3A_9 step %scan3A_10  : i32 {
      %broadcast_in_dim3A = arith.constant 1.000000e+00 : f32
      %broadcast_in_dim3A_28 = vector.broadcast %broadcast_in_dim3A : f32 to vector<16xf32>
      %mul3A_29 = arith.constant 16 : i32
      %mul3A_30 = arith.muli %scan3A_27, %mul3A_29 : i32
      %swap3A = arith.index_cast %mul3A_30 : i32 to index
      %swap3A_31 = tpu.vector_load %arg5[%swap3A] {strides = array<i32>} : memref<128xf32, #tpu.memory_space<vmem>>, vector<16xf32>,
      %swap3A_32 = vector.shape_cast %swap3A_31 : vector<16xf32> to vector<16xf32>
      %swap3A_33 = vector.shape_cast %broadcast_in_dim3A_28 : vector<16xf32> to vector<16xf32>
      tpu.vector_store %arg5[%swap3A], %swap3A_33 {strides = array<i32>} : memref<128xf32, #tpu.memory_space<vmem>>, vector<16xf32>,
    }
    %scan3A_11 = arith.constant 8 : i32
    %mul3A_12 = arith.constant 640 : i32
    %mul3A_13 = arith.muli %arg1, %mul3A_12 : i32
    "tpu.region"() ({
      %run_scoped3A = tpu.sem_alloc : memref<!tpu.dma_semaphore, #tpu.memory_space<semaphore_mem>>
      %dma_start3A = tpu.memref_slice %arg7[%mul3A_13] : memref<10240xf32, #tpu.memory_space<vmem_shared>> -> memref<640xf32, #tpu.memory_space<vmem_shared>>
      %dma_start3A_27 = tpu.memref_slice %arg7[%mul3A_13] : memref<10240xf32, #tpu.memory_space<vmem_shared>> -> memref<640xf32, #tpu.memory_space<vmem_shared>>
      tpu.enqueue_dma source(%arg6 : memref<640xf32, #tpu.memory_space<vmem>>) target(%dma_start3A_27 : memref<640xf32, #tpu.memory_space<vmem_shared>>) target_semaphore(%run_scoped3A : memref<!tpu.dma_semaphore, #tpu.memory_space<semaphore_mem>>)
      %dma_wait3A = tpu.memref_slice %arg7[%mul3A_13] : memref<10240xf32, #tpu.memory_space<vmem_shared>> -> memref<640xf32, #tpu.memory_space<vmem_shared>>
      %dma_wait3A_28 = tpu.memref_slice %arg7[%mul3A_13] : memref<10240xf32, #tpu.memory_space<vmem_shared>> -> memref<640xf32, #tpu.memory_space<vmem_shared>>
      tpu.wait_dma2 semaphore(%run_scoped3A : memref<!tpu.dma_semaphore, #tpu.memory_space<semaphore_mem>>) src(%arg6 : memref<640xf32, #tpu.memory_space<vmem>>) dst(%dma_wait3A_28 : memref<640xf32, #tpu.memory_space<vmem_shared>>)
      tpu.yield
    }) : () -> ()
    %mul3A_14 = arith.constant 80 : i32
    %mul3A_15 = arith.muli %add3A, %mul3A_14 : i32
    "tpu.region"() ({
      %run_scoped3A = tpu.sem_alloc : memref<!tpu.dma_semaphore, #tpu.memory_space<semaphore_mem>>
      %dma_start3A = arith.constant 0 : i32
      %dma_start3A_27 = tpu.memref_slice %arg2[%mul3A_15, %dma_start3A] : memref<2560x128xi32, #tpu.memory_space<hbm>> -> memref<80x128xi32, #tpu.memory_space<hbm>>
      %dma_start3A_28 = arith.constant 0 : i32
      %dma_start3A_29 = tpu.memref_slice %arg2[%mul3A_15, %dma_start3A_28] : memref<2560x128xi32, #tpu.memory_space<hbm>> -> memref<80x128xi32, #tpu.memory_space<hbm>>
      tpu.enqueue_dma source(%dma_start3A_29 : memref<80x128xi32, #tpu.memory_space<hbm>>) target(%arg4 : memref<80x128xi32, #tpu.memory_space<vmem>>) target_semaphore(%run_scoped3A : memref<!tpu.dma_semaphore, #tpu.memory_space<semaphore_mem>>)
      %dma_wait3A = arith.constant 0 : i32
      %dma_wait3A_30 = tpu.memref_slice %arg2[%mul3A_15, %dma_wait3A] : memref<2560x128xi32, #tpu.memory_space<hbm>> -> memref<80x128xi32, #tpu.memory_space<hbm>>
      %dma_wait3A_31 = arith.constant 0 : i32
      %dma_wait3A_32 = tpu.memref_slice %arg2[%mul3A_15, %dma_wait3A_31] : memref<2560x128xi32, #tpu.memory_space<hbm>> -> memref<80x128xi32, #tpu.memory_space<hbm>>
      tpu.wait_dma2 semaphore(%run_scoped3A : memref<!tpu.dma_semaphore, #tpu.memory_space<semaphore_mem>>) src(%dma_wait3A_32 : memref<80x128xi32, #tpu.memory_space<hbm>>) dst(%arg4 : memref<80x128xi32, #tpu.memory_space<vmem>>)
      tpu.yield
    }) : () -> ()
    %barrier3A = arith.constant 0 : index
    tpu.barrier barrier_id(%barrier3A)
    %scan3A_16 = arith.constant 0 : i32
    %scan3A_17 = arith.constant 0 : i32
    %scan3A_18 = arith.constant 80 : i32
    %scan3A_19 = arith.addi %scan3A_17, %scan3A_18 : i32
    %scan3A_20 = arith.constant 1 : i32
    scf.for %scan3A_27 = %scan3A_17 to %scan3A_19 step %scan3A_20  : i32 {
      "tpu.region"() ({
        %run_scoped3A = tpu.sem_alloc : memref<!tpu.dma_semaphore, #tpu.memory_space<semaphore_mem>>
        %dma_start3A = arith.constant 0 : i32
        %dma_start3A_28 = tpu.memref_slice %arg4[%scan3A_27, %dma_start3A] : memref<80x128xi32, #tpu.memory_space<vmem>> -> memref<1x128xi32, #tpu.memory_space<vmem>>
        %dma_start3A_29 = tpu.memref_squeeze %dma_start3A_28 : memref<1x128xi32, #tpu.memory_space<vmem>> -> memref<128xi32, #tpu.memory_space<vmem>>
        %dma_start3A_30 = arith.constant 0 : i32
        %dma_start3A_31 = tpu.memref_slice %arg7[%dma_start3A_30] : memref<10240xf32, #tpu.memory_space<vmem_shared>> -> memref<10240xf32, #tpu.memory_space<vmem_shared>>
        tpu.enqueue_indirect_dma source(%arg5 : memref<128xf32, #tpu.memory_space<vmem>>) target(%dma_start3A_31 : memref<10240xf32, #tpu.memory_space<vmem_shared>>) offsets(%dma_start3A_29 : memref<128xi32, #tpu.memory_space<vmem>>) semaphore(%run_scoped3A : memref<!tpu.dma_semaphore, #tpu.memory_space<semaphore_mem>>) {add = true}
        %dma_wait3A = arith.constant 0 : i32
        %dma_wait3A_32 = tpu.memref_slice %arg4[%scan3A_27, %dma_wait3A] : memref<80x128xi32, #tpu.memory_space<vmem>> -> memref<1x128xi32, #tpu.memory_space<vmem>>
        %dma_wait3A_33 = tpu.memref_squeeze %dma_wait3A_32 : memref<1x128xi32, #tpu.memory_space<vmem>> -> memref<128xi32, #tpu.memory_space<vmem>>
        %dma_wait3A_34 = arith.constant 0 : i32
        %dma_wait3A_35 = tpu.memref_slice %arg7[%dma_wait3A_34] : memref<10240xf32, #tpu.memory_space<vmem_shared>> -> memref<10240xf32, #tpu.memory_space<vmem_shared>>
        tpu.wait_indirect_dma semaphore(%run_scoped3A : memref<!tpu.dma_semaphore, #tpu.memory_space<semaphore_mem>>) src(%arg5 : memref<128xf32, #tpu.memory_space<vmem>>) dst(%dma_wait3A_35 : memref<10240xf32, #tpu.memory_space<vmem_shared>>)
        tpu.yield
      }) : () -> ()
    }
    %scan3A_21 = arith.constant 80 : i32
    %barrier3A_22 = arith.constant 0 : index
    tpu.barrier barrier_id(%barrier3A_22)
    %mul3A_23 = arith.constant 640 : i32
    %mul3A_24 = arith.muli %arg1, %mul3A_23 : i32
    %mul3A_25 = arith.constant 640 : i32
    %mul3A_26 = arith.muli %arg1, %mul3A_25 : i32
    "tpu.region"() ({
      %run_scoped3A = tpu.sem_alloc : memref<!tpu.dma_semaphore, #tpu.memory_space<semaphore_mem>>
      %dma_start3A = tpu.memref_slice %arg3[%arg0, %mul3A_26] : memref<2x10240xf32, #tpu.memory_space<hbm>> -> memref<1x640xf32, #tpu.memory_space<hbm>>
      %dma_start3A_27 = tpu.memref_squeeze %dma_start3A : memref<1x640xf32, #tpu.memory_space<hbm>> -> memref<640xf32, #tpu.memory_space<hbm>>
      %dma_start3A_28 = tpu.memref_slice %arg7[%mul3A_24] : memref<10240xf32, #tpu.memory_space<vmem_shared>> -> memref<640xf32, #tpu.memory_space<vmem_shared>>
      tpu.enqueue_dma source(%dma_start3A_28 : memref<640xf32, #tpu.memory_space<vmem_shared>>) target(%dma_start3A_27 : memref<640xf32, #tpu.memory_space<hbm>>) target_semaphore(%run_scoped3A : memref<!tpu.dma_semaphore, #tpu.memory_space<semaphore_mem>>)
      %dma_wait3A = tpu.memref_slice %arg3[%arg0, %mul3A_26] : memref<2x10240xf32, #tpu.memory_space<hbm>> -> memref<1x640xf32, #tpu.memory_space<hbm>>
      %dma_wait3A_29 = tpu.memref_squeeze %dma_wait3A : memref<1x640xf32, #tpu.memory_space<hbm>> -> memref<640xf32, #tpu.memory_space<hbm>>
      %dma_wait3A_30 = tpu.memref_slice %arg7[%mul3A_24] : memref<10240xf32, #tpu.memory_space<vmem_shared>> -> memref<640xf32, #tpu.memory_space<vmem_shared>>
      tpu.wait_dma2 semaphore(%run_scoped3A : memref<!tpu.dma_semaphore, #tpu.memory_space<semaphore_mem>>) src(%dma_wait3A_30 : memref<640xf32, #tpu.memory_space<vmem_shared>>) dst(%dma_wait3A_29 : memref<640xf32, #tpu.memory_space<hbm>>)
      tpu.yield
    }) : () -> ()
    return
  }
}

#map = affine_map<(d0, d1) -> (0, 0)>
#map1 = affine_map<(d0, d1) -> (0, 0, 0)>
module attributes {stable_mosaic.version = 14 : i64} {
  func.func @agg(%arg0: i32, %arg1: i32, %arg2: memref<10000x128xf32, #tpu.memory_space<hbm>>, %arg3: memref<2560x128xi32, #tpu.memory_space<hbm>>, %arg4: memref<2560x128xi32, #tpu.memory_space<hbm>>, %arg5: memref<10240x128xf32, #tpu.memory_space<hbm>>, %arg6: memref<2x10240x128xf32, #tpu.memory_space<hbm>>, %arg7: memref<40x128xi32, #tpu.memory_space<vmem>>, %arg8: memref<40x128xi32, #tpu.memory_space<vmem>>, %arg9: memref<128x128xf32, #tpu.memory_space<vmem>>, %arg10: memref<128x128xf32, #tpu.memory_space<vmem>>, %arg11: memref<10240x128xf32, #tpu.memory_space<vmem_shared>>, %arg12: memref<!tpu.dma_semaphore, #tpu.memory_space<semaphore_mem>>, %arg13: memref<!tpu.dma_semaphore, #tpu.memory_space<semaphore_mem>>) attributes {dimension_semantics = [#tpu.dimension_semantics<core_parallel>, #tpu.dimension_semantics<subcore_parallel>], iteration_bounds = array<i64: 2, 16>, scalar_prefetch = 0 : i64, scratch_operands = 7 : i64, tpu.core_type = #tpu.core_type<sc_vector_subcore>, window_params = [{transform_indices = #map}, {transform_indices = #map}, {transform_indices = #map}, {transform_indices = #map}, {transform_indices = #map1}]} {
    %mul3A = arith.constant 640 : i32
    %mul3A_0 = arith.muli %arg1, %mul3A : i32
    %mul3A_1 = arith.constant 640 : i32
    %mul3A_2 = arith.muli %arg1, %mul3A_1 : i32
    "tpu.region"() ({
      %run_scoped3A = tpu.sem_alloc : memref<!tpu.dma_semaphore, #tpu.memory_space<semaphore_mem>>
      %dma_start3A = arith.constant 0 : i32
      %dma_start3A_27 = tpu.memref_slice %arg11[%mul3A_2, %dma_start3A] : memref<10240x128xf32, #tpu.memory_space<vmem_shared>> -> memref<640x128xf32, #tpu.memory_space<vmem_shared>>
      %dma_start3A_28 = arith.constant 0 : i32
      %dma_start3A_29 = tpu.memref_slice %arg5[%mul3A_0, %dma_start3A_28] : memref<10240x128xf32, #tpu.memory_space<hbm>> -> memref<640x128xf32, #tpu.memory_space<hbm>>
      tpu.enqueue_dma source(%dma_start3A_29 : memref<640x128xf32, #tpu.memory_space<hbm>>) target(%dma_start3A_27 : memref<640x128xf32, #tpu.memory_space<vmem_shared>>) target_semaphore(%run_scoped3A : memref<!tpu.dma_semaphore, #tpu.memory_space<semaphore_mem>>)
      %dma_wait3A = arith.constant 0 : i32
      %dma_wait3A_30 = tpu.memref_slice %arg11[%mul3A_2, %dma_wait3A] : memref<10240x128xf32, #tpu.memory_space<vmem_shared>> -> memref<640x128xf32, #tpu.memory_space<vmem_shared>>
      %dma_wait3A_31 = arith.constant 0 : i32
      %dma_wait3A_32 = tpu.memref_slice %arg5[%mul3A_0, %dma_wait3A_31] : memref<10240x128xf32, #tpu.memory_space<hbm>> -> memref<640x128xf32, #tpu.memory_space<hbm>>
      tpu.wait_dma2 semaphore(%run_scoped3A : memref<!tpu.dma_semaphore, #tpu.memory_space<semaphore_mem>>) src(%dma_wait3A_32 : memref<640x128xf32, #tpu.memory_space<hbm>>) dst(%dma_wait3A_30 : memref<640x128xf32, #tpu.memory_space<vmem_shared>>)
      tpu.yield
    }) : () -> ()
    %barrier3A = arith.constant 0 : index
    tpu.barrier barrier_id(%barrier3A)
    %eq3A = arith.constant 0 : i32
    %eq3A_3 = arith.cmpi eq, %arg0, %eq3A : i32
    %mul3A_4 = arith.constant 120 : i32
    %mul3A_5 = arith.muli %arg1, %mul3A_4 : i32
    %mul3A_6 = arith.constant 40 : i32
    %mul3A_7 = arith.muli %arg1, %mul3A_6 : i32
    %add3A = arith.constant 1920 : i32
    %add3A_8 = arith.addi %add3A, %mul3A_7 : i32
    %select_n3A = arith.select %eq3A_3, %mul3A_5, %add3A_8 : i32
    %eq3A_9 = arith.constant 0 : i32
    %eq3A_10 = arith.cmpi eq, %arg0, %eq3A_9 : i32
    %jit3A = arith.constant 3 : i32
    %jit3A_11 = arith.constant 1 : i32
    %select_n3A_12 = arith.select %eq3A_10, %jit3A, %jit3A_11 : i32
    %while3A = arith.constant 0 : i32
    %while3A_13 = arith.constant 0 : i32
    %while3A_14 = arith.subi %select_n3A_12, %while3A_13 : i32
    %while3A_15 = arith.addi %while3A_13, %while3A_14 : i32
    %while3A_16 = arith.constant 1 : i32
    %while3A_17 = arith.divsi %while3A_14, %while3A_16 : i32
    %while3A_18 = arith.muli %while3A_17, %while3A_16 : i32
    %while3A_19 = arith.addi %while3A_13, %while3A_18 : i32
    %while3A_20 = arith.constant 1 : i32
    scf.for %while3A_27 = %while3A_13 to %while3A_19 step %while3A_20  : i32 {
      %mul3A_28 = arith.constant 40 : i32
      %mul3A_29 = arith.muli %while3A_27, %mul3A_28 : i32
      %add3A_30 = arith.addi %select_n3A, %mul3A_29 : i32
      "tpu.region"() ({
        %run_scoped3A = tpu.sem_alloc : memref<!tpu.dma_semaphore, #tpu.memory_space<semaphore_mem>>
        %dma_start3A_42 = arith.constant 0 : i32
        %dma_start3A_43 = tpu.memref_slice %arg3[%add3A_30, %dma_start3A_42] : memref<2560x128xi32, #tpu.memory_space<hbm>> -> memref<40x128xi32, #tpu.memory_space<hbm>>
        %dma_start3A_44 = arith.constant 0 : i32
        %dma_start3A_45 = tpu.memref_slice %arg3[%add3A_30, %dma_start3A_44] : memref<2560x128xi32, #tpu.memory_space<hbm>> -> memref<40x128xi32, #tpu.memory_space<hbm>>
        tpu.enqueue_dma source(%dma_start3A_45 : memref<40x128xi32, #tpu.memory_space<hbm>>) target(%arg7 : memref<40x128xi32, #tpu.memory_space<vmem>>) target_semaphore(%run_scoped3A : memref<!tpu.dma_semaphore, #tpu.memory_space<semaphore_mem>>)
        %dma_wait3A = arith.constant 0 : i32
        %dma_wait3A_46 = tpu.memref_slice %arg3[%add3A_30, %dma_wait3A] : memref<2560x128xi32, #tpu.memory_space<hbm>> -> memref<40x128xi32, #tpu.memory_space<hbm>>
        %dma_wait3A_47 = arith.constant 0 : i32
        %dma_wait3A_48 = tpu.memref_slice %arg3[%add3A_30, %dma_wait3A_47] : memref<2560x128xi32, #tpu.memory_space<hbm>> -> memref<40x128xi32, #tpu.memory_space<hbm>>
        tpu.wait_dma2 semaphore(%run_scoped3A : memref<!tpu.dma_semaphore, #tpu.memory_space<semaphore_mem>>) src(%dma_wait3A_48 : memref<40x128xi32, #tpu.memory_space<hbm>>) dst(%arg7 : memref<40x128xi32, #tpu.memory_space<vmem>>)
        tpu.yield
      }) : () -> ()
      "tpu.region"() ({
        %run_scoped3A = tpu.sem_alloc : memref<!tpu.dma_semaphore, #tpu.memory_space<semaphore_mem>>
        %dma_start3A_42 = arith.constant 0 : i32
        %dma_start3A_43 = tpu.memref_slice %arg4[%add3A_30, %dma_start3A_42] : memref<2560x128xi32, #tpu.memory_space<hbm>> -> memref<40x128xi32, #tpu.memory_space<hbm>>
        %dma_start3A_44 = arith.constant 0 : i32
        %dma_start3A_45 = tpu.memref_slice %arg4[%add3A_30, %dma_start3A_44] : memref<2560x128xi32, #tpu.memory_space<hbm>> -> memref<40x128xi32, #tpu.memory_space<hbm>>
        tpu.enqueue_dma source(%dma_start3A_45 : memref<40x128xi32, #tpu.memory_space<hbm>>) target(%arg8 : memref<40x128xi32, #tpu.memory_space<vmem>>) target_semaphore(%run_scoped3A : memref<!tpu.dma_semaphore, #tpu.memory_space<semaphore_mem>>)
        %dma_wait3A = arith.constant 0 : i32
        %dma_wait3A_46 = tpu.memref_slice %arg4[%add3A_30, %dma_wait3A] : memref<2560x128xi32, #tpu.memory_space<hbm>> -> memref<40x128xi32, #tpu.memory_space<hbm>>
        %dma_wait3A_47 = arith.constant 0 : i32
        %dma_wait3A_48 = tpu.memref_slice %arg4[%add3A_30, %dma_wait3A_47] : memref<2560x128xi32, #tpu.memory_space<hbm>> -> memref<40x128xi32, #tpu.memory_space<hbm>>
        tpu.wait_dma2 semaphore(%run_scoped3A : memref<!tpu.dma_semaphore, #tpu.memory_space<semaphore_mem>>) src(%dma_wait3A_48 : memref<40x128xi32, #tpu.memory_space<hbm>>) dst(%arg8 : memref<40x128xi32, #tpu.memory_space<vmem>>)
        tpu.yield
      }) : () -> ()
      %dma_start3A = arith.constant 0 : i32
      %dma_start3A_31 = arith.constant 0 : i32
      %dma_start3A_32 = tpu.memref_slice %arg7[%dma_start3A, %dma_start3A_31] : memref<40x128xi32, #tpu.memory_space<vmem>> -> memref<1x128xi32, #tpu.memory_space<vmem>>
      %dma_start3A_33 = tpu.memref_squeeze %dma_start3A_32 : memref<1x128xi32, #tpu.memory_space<vmem>> -> memref<128xi32, #tpu.memory_space<vmem>>
      %dma_start3A_34 = arith.constant 0 : i32
      %dma_start3A_35 = arith.constant 0 : i32
      %dma_start3A_36 = tpu.memref_slice %arg2[%dma_start3A_34, %dma_start3A_35] : memref<10000x128xf32, #tpu.memory_space<hbm>> -> memref<10000x128xf32, #tpu.memory_space<hbm>>
      tpu.enqueue_indirect_dma source(%dma_start3A_36 : memref<10000x128xf32, #tpu.memory_space<hbm>>) target(%arg9 : memref<128x128xf32, #tpu.memory_space<vmem>>) offsets(%dma_start3A_33 : memref<128xi32, #tpu.memory_space<vmem>>) semaphore(%arg12 : memref<!tpu.dma_semaphore, #tpu.memory_space<semaphore_mem>>)
      %scan3A = arith.constant 0 : i32
      %scan3A_37 = arith.constant 0 : i32
      %scan3A_38 = arith.constant 20 : i32
      %scan3A_39 = arith.addi %scan3A_37, %scan3A_38 : i32
      %scan3A_40 = arith.constant 1 : i32
      scf.for %scan3A_42 = %scan3A_37 to %scan3A_39 step %scan3A_40  : i32 {
        %mul3A_43 = arith.constant 2 : i32
        %mul3A_44 = arith.muli %mul3A_43, %scan3A_42 : i32
        %add3A_45 = arith.constant 1 : i32
        %add3A_46 = arith.addi %mul3A_44, %add3A_45 : i32
        %dma_wait3A = arith.constant 0 : i32
        %dma_wait3A_47 = tpu.memref_slice %arg7[%mul3A_44, %dma_wait3A] : memref<40x128xi32, #tpu.memory_space<vmem>> -> memref<1x128xi32, #tpu.memory_space<vmem>>
        %dma_wait3A_48 = tpu.memref_squeeze %dma_wait3A_47 : memref<1x128xi32, #tpu.memory_space<vmem>> -> memref<128xi32, #tpu.memory_space<vmem>>
        %dma_wait3A_49 = arith.constant 0 : i32
        %dma_wait3A_50 = arith.constant 0 : i32
        %dma_wait3A_51 = tpu.memref_slice %arg2[%dma_wait3A_49, %dma_wait3A_50] : memref<10000x128xf32, #tpu.memory_space<hbm>> -> memref<10000x128xf32, #tpu.memory_space<hbm>>
        tpu.wait_indirect_dma semaphore(%arg12 : memref<!tpu.dma_semaphore, #tpu.memory_space<semaphore_mem>>) src(%dma_wait3A_51 : memref<10000x128xf32, #tpu.memory_space<hbm>>) dst(%arg9 : memref<128x128xf32, #tpu.memory_space<vmem>>)
        %dma_start3A_52 = arith.constant 0 : i32
        %dma_start3A_53 = tpu.memref_slice %arg7[%add3A_46, %dma_start3A_52] : memref<40x128xi32, #tpu.memory_space<vmem>> -> memref<1x128xi32, #tpu.memory_space<vmem>>
        %dma_start3A_54 = tpu.memref_squeeze %dma_start3A_53 : memref<1x128xi32, #tpu.memory_space<vmem>> -> memref<128xi32, #tpu.memory_space<vmem>>
        %dma_start3A_55 = arith.constant 0 : i32
        %dma_start3A_56 = arith.constant 0 : i32
        %dma_start3A_57 = tpu.memref_slice %arg2[%dma_start3A_55, %dma_start3A_56] : memref<10000x128xf32, #tpu.memory_space<hbm>> -> memref<10000x128xf32, #tpu.memory_space<hbm>>
        tpu.enqueue_indirect_dma source(%dma_start3A_57 : memref<10000x128xf32, #tpu.memory_space<hbm>>) target(%arg10 : memref<128x128xf32, #tpu.memory_space<vmem>>) offsets(%dma_start3A_54 : memref<128xi32, #tpu.memory_space<vmem>>) semaphore(%arg13 : memref<!tpu.dma_semaphore, #tpu.memory_space<semaphore_mem>>)
        "tpu.region"() ({
          %run_scoped3A = tpu.sem_alloc : memref<!tpu.dma_semaphore, #tpu.memory_space<semaphore_mem>>
          %dma_start3A_66 = arith.constant 0 : i32
          %dma_start3A_67 = tpu.memref_slice %arg8[%mul3A_44, %dma_start3A_66] : memref<40x128xi32, #tpu.memory_space<vmem>> -> memref<1x128xi32, #tpu.memory_space<vmem>>
          %dma_start3A_68 = tpu.memref_squeeze %dma_start3A_67 : memref<1x128xi32, #tpu.memory_space<vmem>> -> memref<128xi32, #tpu.memory_space<vmem>>
          %dma_start3A_69 = arith.constant 0 : i32
          %dma_start3A_70 = arith.constant 0 : i32
          %dma_start3A_71 = tpu.memref_slice %arg11[%dma_start3A_69, %dma_start3A_70] : memref<10240x128xf32, #tpu.memory_space<vmem_shared>> -> memref<10240x128xf32, #tpu.memory_space<vmem_shared>>
          tpu.enqueue_indirect_dma source(%arg9 : memref<128x128xf32, #tpu.memory_space<vmem>>) target(%dma_start3A_71 : memref<10240x128xf32, #tpu.memory_space<vmem_shared>>) offsets(%dma_start3A_68 : memref<128xi32, #tpu.memory_space<vmem>>) semaphore(%run_scoped3A : memref<!tpu.dma_semaphore, #tpu.memory_space<semaphore_mem>>) {add = true}
          %dma_wait3A_72 = arith.constant 0 : i32
          %dma_wait3A_73 = tpu.memref_slice %arg8[%mul3A_44, %dma_wait3A_72] : memref<40x128xi32, #tpu.memory_space<vmem>> -> memref<1x128xi32, #tpu.memory_space<vmem>>
          %dma_wait3A_74 = tpu.memref_squeeze %dma_wait3A_73 : memref<1x128xi32, #tpu.memory_space<vmem>> -> memref<128xi32, #tpu.memory_space<vmem>>
          %dma_wait3A_75 = arith.constant 0 : i32
          %dma_wait3A_76 = arith.constant 0 : i32
          %dma_wait3A_77 = tpu.memref_slice %arg11[%dma_wait3A_75, %dma_wait3A_76] : memref<10240x128xf32, #tpu.memory_space<vmem_shared>> -> memref<10240x128xf32, #tpu.memory_space<vmem_shared>>
          tpu.wait_indirect_dma semaphore(%run_scoped3A : memref<!tpu.dma_semaphore, #tpu.memory_space<semaphore_mem>>) src(%arg9 : memref<128x128xf32, #tpu.memory_space<vmem>>) dst(%dma_wait3A_77 : memref<10240x128xf32, #tpu.memory_space<vmem_shared>>)
          tpu.yield
        }) : () -> ()
        %dma_wait3A_58 = arith.constant 0 : i32
        %dma_wait3A_59 = tpu.memref_slice %arg7[%add3A_46, %dma_wait3A_58] : memref<40x128xi32, #tpu.memory_space<vmem>> -> memref<1x128xi32, #tpu.memory_space<vmem>>
        %dma_wait3A_60 = tpu.memref_squeeze %dma_wait3A_59 : memref<1x128xi32, #tpu.memory_space<vmem>> -> memref<128xi32, #tpu.memory_space<vmem>>
        %dma_wait3A_61 = arith.constant 0 : i32
        %dma_wait3A_62 = arith.constant 0 : i32
        %dma_wait3A_63 = tpu.memref_slice %arg2[%dma_wait3A_61, %dma_wait3A_62] : memref<10000x128xf32, #tpu.memory_space<hbm>> -> memref<10000x128xf32, #tpu.memory_space<hbm>>
        tpu.wait_indirect_dma semaphore(%arg13 : memref<!tpu.dma_semaphore, #tpu.memory_space<semaphore_mem>>) src(%dma_wait3A_63 : memref<10000x128xf32, #tpu.memory_space<hbm>>) dst(%arg10 : memref<128x128xf32, #tpu.memory_space<vmem>>)
        %lt3A = arith.constant 19 : i32
        %lt3A_64 = arith.cmpi slt, %scan3A_42, %lt3A : i32
        %convert_element_type3A = arith.extui %lt3A_64 : i1 to i32
        %cond3A = arith.constant 0 : i32
        %cond3A_65 = arith.cmpi ne, %convert_element_type3A, %cond3A : i32
        scf.if %cond3A_65 {
          %add3A_66 = arith.constant 2 : i32
          %add3A_67 = arith.addi %mul3A_44, %add3A_66 : i32
          %dma_start3A_68 = arith.constant 0 : i32
          %dma_start3A_69 = tpu.memref_slice %arg7[%add3A_67, %dma_start3A_68] : memref<40x128xi32, #tpu.memory_space<vmem>> -> memref<1x128xi32, #tpu.memory_space<vmem>>
          %dma_start3A_70 = tpu.memref_squeeze %dma_start3A_69 : memref<1x128xi32, #tpu.memory_space<vmem>> -> memref<128xi32, #tpu.memory_space<vmem>>
          %dma_start3A_71 = arith.constant 0 : i32
          %dma_start3A_72 = arith.constant 0 : i32
          %dma_start3A_73 = tpu.memref_slice %arg2[%dma_start3A_71, %dma_start3A_72] : memref<10000x128xf32, #tpu.memory_space<hbm>> -> memref<10000x128xf32, #tpu.memory_space<hbm>>
          tpu.enqueue_indirect_dma source(%dma_start3A_73 : memref<10000x128xf32, #tpu.memory_space<hbm>>) target(%arg9 : memref<128x128xf32, #tpu.memory_space<vmem>>) offsets(%dma_start3A_70 : memref<128xi32, #tpu.memory_space<vmem>>) semaphore(%arg12 : memref<!tpu.dma_semaphore, #tpu.memory_space<semaphore_mem>>)
        } else {
        }
        "tpu.region"() ({
          %run_scoped3A = tpu.sem_alloc : memref<!tpu.dma_semaphore, #tpu.memory_space<semaphore_mem>>
          %dma_start3A_66 = arith.constant 0 : i32
          %dma_start3A_67 = tpu.memref_slice %arg8[%add3A_46, %dma_start3A_66] : memref<40x128xi32, #tpu.memory_space<vmem>> -> memref<1x128xi32, #tpu.memory_space<vmem>>
          %dma_start3A_68 = tpu.memref_squeeze %dma_start3A_67 : memref<1x128xi32, #tpu.memory_space<vmem>> -> memref<128xi32, #tpu.memory_space<vmem>>
          %dma_start3A_69 = arith.constant 0 : i32
          %dma_start3A_70 = arith.constant 0 : i32
          %dma_start3A_71 = tpu.memref_slice %arg11[%dma_start3A_69, %dma_start3A_70] : memref<10240x128xf32, #tpu.memory_space<vmem_shared>> -> memref<10240x128xf32, #tpu.memory_space<vmem_shared>>
          tpu.enqueue_indirect_dma source(%arg10 : memref<128x128xf32, #tpu.memory_space<vmem>>) target(%dma_start3A_71 : memref<10240x128xf32, #tpu.memory_space<vmem_shared>>) offsets(%dma_start3A_68 : memref<128xi32, #tpu.memory_space<vmem>>) semaphore(%run_scoped3A : memref<!tpu.dma_semaphore, #tpu.memory_space<semaphore_mem>>) {add = true}
          %dma_wait3A_72 = arith.constant 0 : i32
          %dma_wait3A_73 = tpu.memref_slice %arg8[%add3A_46, %dma_wait3A_72] : memref<40x128xi32, #tpu.memory_space<vmem>> -> memref<1x128xi32, #tpu.memory_space<vmem>>
          %dma_wait3A_74 = tpu.memref_squeeze %dma_wait3A_73 : memref<1x128xi32, #tpu.memory_space<vmem>> -> memref<128xi32, #tpu.memory_space<vmem>>
          %dma_wait3A_75 = arith.constant 0 : i32
          %dma_wait3A_76 = arith.constant 0 : i32
          %dma_wait3A_77 = tpu.memref_slice %arg11[%dma_wait3A_75, %dma_wait3A_76] : memref<10240x128xf32, #tpu.memory_space<vmem_shared>> -> memref<10240x128xf32, #tpu.memory_space<vmem_shared>>
          tpu.wait_indirect_dma semaphore(%run_scoped3A : memref<!tpu.dma_semaphore, #tpu.memory_space<semaphore_mem>>) src(%arg10 : memref<128x128xf32, #tpu.memory_space<vmem>>) dst(%dma_wait3A_77 : memref<10240x128xf32, #tpu.memory_space<vmem_shared>>)
          tpu.yield
        }) : () -> ()
      }
      %scan3A_41 = arith.constant 20 : i32
    }
    %while3A_21 = arith.constant 1 : i32
    scf.for %while3A_27 = %while3A_19 to %while3A_15 step %while3A_21  : i32 {
      %mul3A_28 = arith.constant 40 : i32
      %mul3A_29 = arith.muli %while3A_27, %mul3A_28 : i32
      %add3A_30 = arith.addi %select_n3A, %mul3A_29 : i32
      "tpu.region"() ({
        %run_scoped3A = tpu.sem_alloc : memref<!tpu.dma_semaphore, #tpu.memory_space<semaphore_mem>>
        %dma_start3A_42 = arith.constant 0 : i32
        %dma_start3A_43 = tpu.memref_slice %arg3[%add3A_30, %dma_start3A_42] : memref<2560x128xi32, #tpu.memory_space<hbm>> -> memref<40x128xi32, #tpu.memory_space<hbm>>
        %dma_start3A_44 = arith.constant 0 : i32
        %dma_start3A_45 = tpu.memref_slice %arg3[%add3A_30, %dma_start3A_44] : memref<2560x128xi32, #tpu.memory_space<hbm>> -> memref<40x128xi32, #tpu.memory_space<hbm>>
        tpu.enqueue_dma source(%dma_start3A_45 : memref<40x128xi32, #tpu.memory_space<hbm>>) target(%arg7 : memref<40x128xi32, #tpu.memory_space<vmem>>) target_semaphore(%run_scoped3A : memref<!tpu.dma_semaphore, #tpu.memory_space<semaphore_mem>>)
        %dma_wait3A = arith.constant 0 : i32
        %dma_wait3A_46 = tpu.memref_slice %arg3[%add3A_30, %dma_wait3A] : memref<2560x128xi32, #tpu.memory_space<hbm>> -> memref<40x128xi32, #tpu.memory_space<hbm>>
        %dma_wait3A_47 = arith.constant 0 : i32
        %dma_wait3A_48 = tpu.memref_slice %arg3[%add3A_30, %dma_wait3A_47] : memref<2560x128xi32, #tpu.memory_space<hbm>> -> memref<40x128xi32, #tpu.memory_space<hbm>>
        tpu.wait_dma2 semaphore(%run_scoped3A : memref<!tpu.dma_semaphore, #tpu.memory_space<semaphore_mem>>) src(%dma_wait3A_48 : memref<40x128xi32, #tpu.memory_space<hbm>>) dst(%arg7 : memref<40x128xi32, #tpu.memory_space<vmem>>)
        tpu.yield
      }) : () -> ()
      "tpu.region"() ({
        %run_scoped3A = tpu.sem_alloc : memref<!tpu.dma_semaphore, #tpu.memory_space<semaphore_mem>>
        %dma_start3A_42 = arith.constant 0 : i32
        %dma_start3A_43 = tpu.memref_slice %arg4[%add3A_30, %dma_start3A_42] : memref<2560x128xi32, #tpu.memory_space<hbm>> -> memref<40x128xi32, #tpu.memory_space<hbm>>
        %dma_start3A_44 = arith.constant 0 : i32
        %dma_start3A_45 = tpu.memref_slice %arg4[%add3A_30, %dma_start3A_44] : memref<2560x128xi32, #tpu.memory_space<hbm>> -> memref<40x128xi32, #tpu.memory_space<hbm>>
        tpu.enqueue_dma source(%dma_start3A_45 : memref<40x128xi32, #tpu.memory_space<hbm>>) target(%arg8 : memref<40x128xi32, #tpu.memory_space<vmem>>) target_semaphore(%run_scoped3A : memref<!tpu.dma_semaphore, #tpu.memory_space<semaphore_mem>>)
        %dma_wait3A = arith.constant 0 : i32
        %dma_wait3A_46 = tpu.memref_slice %arg4[%add3A_30, %dma_wait3A] : memref<2560x128xi32, #tpu.memory_space<hbm>> -> memref<40x128xi32, #tpu.memory_space<hbm>>
        %dma_wait3A_47 = arith.constant 0 : i32
        %dma_wait3A_48 = tpu.memref_slice %arg4[%add3A_30, %dma_wait3A_47] : memref<2560x128xi32, #tpu.memory_space<hbm>> -> memref<40x128xi32, #tpu.memory_space<hbm>>
        tpu.wait_dma2 semaphore(%run_scoped3A : memref<!tpu.dma_semaphore, #tpu.memory_space<semaphore_mem>>) src(%dma_wait3A_48 : memref<40x128xi32, #tpu.memory_space<hbm>>) dst(%arg8 : memref<40x128xi32, #tpu.memory_space<vmem>>)
        tpu.yield
      }) : () -> ()
      %dma_start3A = arith.constant 0 : i32
      %dma_start3A_31 = arith.constant 0 : i32
      %dma_start3A_32 = tpu.memref_slice %arg7[%dma_start3A, %dma_start3A_31] : memref<40x128xi32, #tpu.memory_space<vmem>> -> memref<1x128xi32, #tpu.memory_space<vmem>>
      %dma_start3A_33 = tpu.memref_squeeze %dma_start3A_32 : memref<1x128xi32, #tpu.memory_space<vmem>> -> memref<128xi32, #tpu.memory_space<vmem>>
      %dma_start3A_34 = arith.constant 0 : i32
      %dma_start3A_35 = arith.constant 0 : i32
      %dma_start3A_36 = tpu.memref_slice %arg2[%dma_start3A_34, %dma_start3A_35] : memref<10000x128xf32, #tpu.memory_space<hbm>> -> memref<10000x128xf32, #tpu.memory_space<hbm>>
      tpu.enqueue_indirect_dma source(%dma_start3A_36 : memref<10000x128xf32, #tpu.memory_space<hbm>>) target(%arg9 : memref<128x128xf32, #tpu.memory_space<vmem>>) offsets(%dma_start3A_33 : memref<128xi32, #tpu.memory_space<vmem>>) semaphore(%arg12 : memref<!tpu.dma_semaphore, #tpu.memory_space<semaphore_mem>>)
      %scan3A = arith.constant 0 : i32
      %scan3A_37 = arith.constant 0 : i32
      %scan3A_38 = arith.constant 20 : i32
      %scan3A_39 = arith.addi %scan3A_37, %scan3A_38 : i32
      %scan3A_40 = arith.constant 1 : i32
      scf.for %scan3A_42 = %scan3A_37 to %scan3A_39 step %scan3A_40  : i32 {
        %mul3A_43 = arith.constant 2 : i32
        %mul3A_44 = arith.muli %mul3A_43, %scan3A_42 : i32
        %add3A_45 = arith.constant 1 : i32
        %add3A_46 = arith.addi %mul3A_44, %add3A_45 : i32
        %dma_wait3A = arith.constant 0 : i32
        %dma_wait3A_47 = tpu.memref_slice %arg7[%mul3A_44, %dma_wait3A] : memref<40x128xi32, #tpu.memory_space<vmem>> -> memref<1x128xi32, #tpu.memory_space<vmem>>
        %dma_wait3A_48 = tpu.memref_squeeze %dma_wait3A_47 : memref<1x128xi32, #tpu.memory_space<vmem>> -> memref<128xi32, #tpu.memory_space<vmem>>
        %dma_wait3A_49 = arith.constant 0 : i32
        %dma_wait3A_50 = arith.constant 0 : i32
        %dma_wait3A_51 = tpu.memref_slice %arg2[%dma_wait3A_49, %dma_wait3A_50] : memref<10000x128xf32, #tpu.memory_space<hbm>> -> memref<10000x128xf32, #tpu.memory_space<hbm>>
        tpu.wait_indirect_dma semaphore(%arg12 : memref<!tpu.dma_semaphore, #tpu.memory_space<semaphore_mem>>) src(%dma_wait3A_51 : memref<10000x128xf32, #tpu.memory_space<hbm>>) dst(%arg9 : memref<128x128xf32, #tpu.memory_space<vmem>>)
        %dma_start3A_52 = arith.constant 0 : i32
        %dma_start3A_53 = tpu.memref_slice %arg7[%add3A_46, %dma_start3A_52] : memref<40x128xi32, #tpu.memory_space<vmem>> -> memref<1x128xi32, #tpu.memory_space<vmem>>
        %dma_start3A_54 = tpu.memref_squeeze %dma_start3A_53 : memref<1x128xi32, #tpu.memory_space<vmem>> -> memref<128xi32, #tpu.memory_space<vmem>>
        %dma_start3A_55 = arith.constant 0 : i32
        %dma_start3A_56 = arith.constant 0 : i32
        %dma_start3A_57 = tpu.memref_slice %arg2[%dma_start3A_55, %dma_start3A_56] : memref<10000x128xf32, #tpu.memory_space<hbm>> -> memref<10000x128xf32, #tpu.memory_space<hbm>>
        tpu.enqueue_indirect_dma source(%dma_start3A_57 : memref<10000x128xf32, #tpu.memory_space<hbm>>) target(%arg10 : memref<128x128xf32, #tpu.memory_space<vmem>>) offsets(%dma_start3A_54 : memref<128xi32, #tpu.memory_space<vmem>>) semaphore(%arg13 : memref<!tpu.dma_semaphore, #tpu.memory_space<semaphore_mem>>)
        "tpu.region"() ({
          %run_scoped3A = tpu.sem_alloc : memref<!tpu.dma_semaphore, #tpu.memory_space<semaphore_mem>>
          %dma_start3A_66 = arith.constant 0 : i32
          %dma_start3A_67 = tpu.memref_slice %arg8[%mul3A_44, %dma_start3A_66] : memref<40x128xi32, #tpu.memory_space<vmem>> -> memref<1x128xi32, #tpu.memory_space<vmem>>
          %dma_start3A_68 = tpu.memref_squeeze %dma_start3A_67 : memref<1x128xi32, #tpu.memory_space<vmem>> -> memref<128xi32, #tpu.memory_space<vmem>>
          %dma_start3A_69 = arith.constant 0 : i32
          %dma_start3A_70 = arith.constant 0 : i32
          %dma_start3A_71 = tpu.memref_slice %arg11[%dma_start3A_69, %dma_start3A_70] : memref<10240x128xf32, #tpu.memory_space<vmem_shared>> -> memref<10240x128xf32, #tpu.memory_space<vmem_shared>>
          tpu.enqueue_indirect_dma source(%arg9 : memref<128x128xf32, #tpu.memory_space<vmem>>) target(%dma_start3A_71 : memref<10240x128xf32, #tpu.memory_space<vmem_shared>>) offsets(%dma_start3A_68 : memref<128xi32, #tpu.memory_space<vmem>>) semaphore(%run_scoped3A : memref<!tpu.dma_semaphore, #tpu.memory_space<semaphore_mem>>) {add = true}
          %dma_wait3A_72 = arith.constant 0 : i32
          %dma_wait3A_73 = tpu.memref_slice %arg8[%mul3A_44, %dma_wait3A_72] : memref<40x128xi32, #tpu.memory_space<vmem>> -> memref<1x128xi32, #tpu.memory_space<vmem>>
          %dma_wait3A_74 = tpu.memref_squeeze %dma_wait3A_73 : memref<1x128xi32, #tpu.memory_space<vmem>> -> memref<128xi32, #tpu.memory_space<vmem>>
          %dma_wait3A_75 = arith.constant 0 : i32
          %dma_wait3A_76 = arith.constant 0 : i32
          %dma_wait3A_77 = tpu.memref_slice %arg11[%dma_wait3A_75, %dma_wait3A_76] : memref<10240x128xf32, #tpu.memory_space<vmem_shared>> -> memref<10240x128xf32, #tpu.memory_space<vmem_shared>>
          tpu.wait_indirect_dma semaphore(%run_scoped3A : memref<!tpu.dma_semaphore, #tpu.memory_space<semaphore_mem>>) src(%arg9 : memref<128x128xf32, #tpu.memory_space<vmem>>) dst(%dma_wait3A_77 : memref<10240x128xf32, #tpu.memory_space<vmem_shared>>)
          tpu.yield
        }) : () -> ()
        %dma_wait3A_58 = arith.constant 0 : i32
        %dma_wait3A_59 = tpu.memref_slice %arg7[%add3A_46, %dma_wait3A_58] : memref<40x128xi32, #tpu.memory_space<vmem>> -> memref<1x128xi32, #tpu.memory_space<vmem>>
        %dma_wait3A_60 = tpu.memref_squeeze %dma_wait3A_59 : memref<1x128xi32, #tpu.memory_space<vmem>> -> memref<128xi32, #tpu.memory_space<vmem>>
        %dma_wait3A_61 = arith.constant 0 : i32
        %dma_wait3A_62 = arith.constant 0 : i32
        %dma_wait3A_63 = tpu.memref_slice %arg2[%dma_wait3A_61, %dma_wait3A_62] : memref<10000x128xf32, #tpu.memory_space<hbm>> -> memref<10000x128xf32, #tpu.memory_space<hbm>>
        tpu.wait_indirect_dma semaphore(%arg13 : memref<!tpu.dma_semaphore, #tpu.memory_space<semaphore_mem>>) src(%dma_wait3A_63 : memref<10000x128xf32, #tpu.memory_space<hbm>>) dst(%arg10 : memref<128x128xf32, #tpu.memory_space<vmem>>)
        %lt3A = arith.constant 19 : i32
        %lt3A_64 = arith.cmpi slt, %scan3A_42, %lt3A : i32
        %convert_element_type3A = arith.extui %lt3A_64 : i1 to i32
        %cond3A = arith.constant 0 : i32
        %cond3A_65 = arith.cmpi ne, %convert_element_type3A, %cond3A : i32
        scf.if %cond3A_65 {
          %add3A_66 = arith.constant 2 : i32
          %add3A_67 = arith.addi %mul3A_44, %add3A_66 : i32
          %dma_start3A_68 = arith.constant 0 : i32
          %dma_start3A_69 = tpu.memref_slice %arg7[%add3A_67, %dma_start3A_68] : memref<40x128xi32, #tpu.memory_space<vmem>> -> memref<1x128xi32, #tpu.memory_space<vmem>>
          %dma_start3A_70 = tpu.memref_squeeze %dma_start3A_69 : memref<1x128xi32, #tpu.memory_space<vmem>> -> memref<128xi32, #tpu.memory_space<vmem>>
          %dma_start3A_71 = arith.constant 0 : i32
          %dma_start3A_72 = arith.constant 0 : i32
          %dma_start3A_73 = tpu.memref_slice %arg2[%dma_start3A_71, %dma_start3A_72] : memref<10000x128xf32, #tpu.memory_space<hbm>> -> memref<10000x128xf32, #tpu.memory_space<hbm>>
          tpu.enqueue_indirect_dma source(%dma_start3A_73 : memref<10000x128xf32, #tpu.memory_space<hbm>>) target(%arg9 : memref<128x128xf32, #tpu.memory_space<vmem>>) offsets(%dma_start3A_70 : memref<128xi32, #tpu.memory_space<vmem>>) semaphore(%arg12 : memref<!tpu.dma_semaphore, #tpu.memory_space<semaphore_mem>>)
        } else {
        }
        "tpu.region"() ({
          %run_scoped3A = tpu.sem_alloc : memref<!tpu.dma_semaphore, #tpu.memory_space<semaphore_mem>>
          %dma_start3A_66 = arith.constant 0 : i32
          %dma_start3A_67 = tpu.memref_slice %arg8[%add3A_46, %dma_start3A_66] : memref<40x128xi32, #tpu.memory_space<vmem>> -> memref<1x128xi32, #tpu.memory_space<vmem>>
          %dma_start3A_68 = tpu.memref_squeeze %dma_start3A_67 : memref<1x128xi32, #tpu.memory_space<vmem>> -> memref<128xi32, #tpu.memory_space<vmem>>
          %dma_start3A_69 = arith.constant 0 : i32
          %dma_start3A_70 = arith.constant 0 : i32
          %dma_start3A_71 = tpu.memref_slice %arg11[%dma_start3A_69, %dma_start3A_70] : memref<10240x128xf32, #tpu.memory_space<vmem_shared>> -> memref<10240x128xf32, #tpu.memory_space<vmem_shared>>
          tpu.enqueue_indirect_dma source(%arg10 : memref<128x128xf32, #tpu.memory_space<vmem>>) target(%dma_start3A_71 : memref<10240x128xf32, #tpu.memory_space<vmem_shared>>) offsets(%dma_start3A_68 : memref<128xi32, #tpu.memory_space<vmem>>) semaphore(%run_scoped3A : memref<!tpu.dma_semaphore, #tpu.memory_space<semaphore_mem>>) {add = true}
          %dma_wait3A_72 = arith.constant 0 : i32
          %dma_wait3A_73 = tpu.memref_slice %arg8[%add3A_46, %dma_wait3A_72] : memref<40x128xi32, #tpu.memory_space<vmem>> -> memref<1x128xi32, #tpu.memory_space<vmem>>
          %dma_wait3A_74 = tpu.memref_squeeze %dma_wait3A_73 : memref<1x128xi32, #tpu.memory_space<vmem>> -> memref<128xi32, #tpu.memory_space<vmem>>
          %dma_wait3A_75 = arith.constant 0 : i32
          %dma_wait3A_76 = arith.constant 0 : i32
          %dma_wait3A_77 = tpu.memref_slice %arg11[%dma_wait3A_75, %dma_wait3A_76] : memref<10240x128xf32, #tpu.memory_space<vmem_shared>> -> memref<10240x128xf32, #tpu.memory_space<vmem_shared>>
          tpu.wait_indirect_dma semaphore(%run_scoped3A : memref<!tpu.dma_semaphore, #tpu.memory_space<semaphore_mem>>) src(%arg10 : memref<128x128xf32, #tpu.memory_space<vmem>>) dst(%dma_wait3A_77 : memref<10240x128xf32, #tpu.memory_space<vmem_shared>>)
          tpu.yield
        }) : () -> ()
      }
      %scan3A_41 = arith.constant 20 : i32
    }
    %barrier3A_22 = arith.constant 0 : index
    tpu.barrier barrier_id(%barrier3A_22)
    %mul3A_23 = arith.constant 640 : i32
    %mul3A_24 = arith.muli %arg1, %mul3A_23 : i32
    %mul3A_25 = arith.constant 640 : i32
    %mul3A_26 = arith.muli %arg1, %mul3A_25 : i32
    "tpu.region"() ({
      %run_scoped3A = tpu.sem_alloc : memref<!tpu.dma_semaphore, #tpu.memory_space<semaphore_mem>>
      %dma_start3A = arith.constant 0 : i32
      %dma_start3A_27 = tpu.memref_slice %arg6[%arg0, %mul3A_26, %dma_start3A] : memref<2x10240x128xf32, #tpu.memory_space<hbm>> -> memref<1x640x128xf32, #tpu.memory_space<hbm>>
      %dma_start3A_28 = tpu.memref_squeeze %dma_start3A_27 : memref<1x640x128xf32, #tpu.memory_space<hbm>> -> memref<640x128xf32, #tpu.memory_space<hbm>>
      %dma_start3A_29 = arith.constant 0 : i32
      %dma_start3A_30 = tpu.memref_slice %arg11[%mul3A_24, %dma_start3A_29] : memref<10240x128xf32, #tpu.memory_space<vmem_shared>> -> memref<640x128xf32, #tpu.memory_space<vmem_shared>>
      tpu.enqueue_dma source(%dma_start3A_30 : memref<640x128xf32, #tpu.memory_space<vmem_shared>>) target(%dma_start3A_28 : memref<640x128xf32, #tpu.memory_space<hbm>>) target_semaphore(%run_scoped3A : memref<!tpu.dma_semaphore, #tpu.memory_space<semaphore_mem>>)
      %dma_wait3A = arith.constant 0 : i32
      %dma_wait3A_31 = tpu.memref_slice %arg6[%arg0, %mul3A_26, %dma_wait3A] : memref<2x10240x128xf32, #tpu.memory_space<hbm>> -> memref<1x640x128xf32, #tpu.memory_space<hbm>>
      %dma_wait3A_32 = tpu.memref_squeeze %dma_wait3A_31 : memref<1x640x128xf32, #tpu.memory_space<hbm>> -> memref<640x128xf32, #tpu.memory_space<hbm>>
      %dma_wait3A_33 = arith.constant 0 : i32
      %dma_wait3A_34 = tpu.memref_slice %arg11[%mul3A_24, %dma_wait3A_33] : memref<10240x128xf32, #tpu.memory_space<vmem_shared>> -> memref<640x128xf32, #tpu.memory_space<vmem_shared>>
      tpu.wait_dma2 semaphore(%run_scoped3A : memref<!tpu.dma_semaphore, #tpu.memory_space<semaphore_mem>>) src(%dma_wait3A_34 : memref<640x128xf32, #tpu.memory_space<vmem_shared>>) dst(%dma_wait3A_32 : memref<640x128xf32, #tpu.memory_space<hbm>>)
      tpu.yield
    }) : () -> ()
    return
  }
}

module attributes {stable_mosaic.version = 14 : i64} {
  func.func @_mm1_body(%arg0: i32, %arg1: memref<2x2000x1xf32, #tpu.memory_space<vmem>>, %arg2: memref<2000x128xf32, #tpu.memory_space<vmem>>, %arg3: memref<128x128xf32, #tpu.memory_space<vmem>>, %arg4: memref<2000x128xf32, #tpu.memory_space<vmem>>) attributes {dimension_semantics = [#tpu.dimension_semantics<arbitrary>], iteration_bounds = array<i64: 5>, scalar_prefetch = 0 : i64, scratch_operands = 0 : i64, tpu.core_type = #tpu.core_type<tc>, window_params = [{transform_indices = @transform_0, window_bounds = array<i64: 2, 2000, 1>}, {transform_indices = @transform_1, window_bounds = array<i64: 2000, 128>}, {pipeline_mode = #tpu.pipeline_mode<synchronous>, transform_indices = @transform_2, window_bounds = array<i64: 128, 128>}, {transform_indices = @transform_3, window_bounds = array<i64: 2000, 128>}]} {
    %get3A = arith.constant 0 : index
    %get3A_0 = arith.constant 0 : index
    %get3A_1 = arith.constant 0 : index
    %get3A_2 = vector.load %arg1[%get3A, %get3A_0, %get3A_1] : memref<2x2000x1xf32, #tpu.memory_space<vmem>>, vector<2x2000x1xf32>
    %slice3A = vector.extract_strided_slice %get3A_2 {offsets = [0, 0, 0], sizes = [1, 2000, 1], strides = [1, 1, 1]} : vector<2x2000x1xf32> to vector<1x2000x1xf32>
    %squeeze3A = vector.shape_cast %slice3A : vector<1x2000x1xf32> to vector<2000x1xf32>
    %slice3A_3 = vector.extract_strided_slice %get3A_2 {offsets = [1, 0, 0], sizes = [1, 2000, 1], strides = [1, 1, 1]} : vector<2x2000x1xf32> to vector<1x2000x1xf32>
    %squeeze3A_4 = vector.shape_cast %slice3A_3 : vector<1x2000x1xf32> to vector<2000x1xf32>
    %add3A = arith.addf %squeeze3A, %squeeze3A_4 : vector<2000x1xf32>
    %add3A_5 = arith.constant 1.000000e+00 : f32
    %add3A_6 = vector.broadcast %add3A_5 : f32 to vector<2000x1xf32>
    %add3A_7 = arith.addf %add3A, %add3A_6 : vector<2000x1xf32>
    %rsqrt3A = math.rsqrt %add3A_7 : vector<2000x1xf32>
    %get3A_8 = arith.constant 0 : index
    %get3A_9 = arith.constant 0 : index
    %get3A_10 = vector.load %arg2[%get3A_8, %get3A_9] : memref<2000x128xf32, #tpu.memory_space<vmem>>, vector<2000x128xf32>
    %get3A_11 = arith.constant 0 : index
    %get3A_12 = arith.constant 0 : index
    %get3A_13 = vector.load %arg3[%get3A_11, %get3A_12] : memref<128x128xf32, #tpu.memory_space<vmem>>, vector<128x128xf32>
    %dot_general3A = arith.constant dense<0.000000e+00> : vector<2000x128xf32>
    %dot_general3A_14 = tpu.matmul %get3A_10, %get3A_13, %dot_general3A {dimension_numbers = #tpu.dot_dimension_numbers<[1], [0], [0], [1], [0, 0, 1, 1], [], []>, transpose_lhs_hint = false} : vector<2000x128xf32>, vector<128x128xf32>, vector<2000x128xf32> -> vector<2000x128xf32>
    %mul3A = vector.broadcast %rsqrt3A : vector<2000x1xf32> to vector<2000x128xf32>
    %mul3A_15 = arith.mulf %mul3A, %dot_general3A_14 : vector<2000x128xf32>
    %swap3A = arith.constant 0 : index
    %swap3A_16 = arith.constant 0 : index
    %swap3A_17 = vector.load %arg4[%swap3A, %swap3A_16] : memref<2000x128xf32, #tpu.memory_space<vmem>>, vector<2000x128xf32>
    tpu.vector_store %arg4[%swap3A, %swap3A_16], %mul3A_15 {strides = array<i32>} : memref<2000x128xf32, #tpu.memory_space<vmem>>, vector<2000x128xf32>,
    return
  }
  func.func @transform_0(%arg0: i32) -> (i32, i32, i32) {
    %c0_i32 = arith.constant 0 : i32
    %c0_i32_0 = arith.constant 0 : i32
    %c0_i32_1 = arith.constant 0 : i32
    return %c0_i32, %arg0, %c0_i32_0 : i32, i32, i32
  }
  func.func @transform_1(%arg0: i32) -> (i32, i32) {
    %c0_i32 = arith.constant 0 : i32
    %c0_i32_0 = arith.constant 0 : i32
    return %arg0, %c0_i32 : i32, i32
  }
  func.func @transform_2(%arg0: i32) -> (i32, i32) {
    %c0_i32 = arith.constant 0 : i32
    %c0_i32_0 = arith.constant 0 : i32
    %c0_i32_1 = arith.constant 0 : i32
    return %c0_i32, %c0_i32_0 : i32, i32
  }
  func.func @transform_3(%arg0: i32) -> (i32, i32) {
    %c0_i32 = arith.constant 0 : i32
    %c0_i32_0 = arith.constant 0 : i32
    return %arg0, %c0_i32 : i32, i32
  }
}

module attributes {stable_mosaic.version = 14 : i64} {
  func.func @_final_body(%arg0: i32, %arg1: memref<2x2000x1xf32, #tpu.memory_space<vmem>>, %arg2: memref<2x2000x128xf32, #tpu.memory_space<vmem>>, %arg3: memref<2000x128xf32, #tpu.memory_space<vmem>>, %arg4: memref<1x64xf32, #tpu.memory_space<vmem>>, %arg5: memref<2000x64xf32, #tpu.memory_space<vmem>>) attributes {dimension_semantics = [#tpu.dimension_semantics<arbitrary>], iteration_bounds = array<i64: 5>, scalar_prefetch = 0 : i64, scratch_operands = 0 : i64, tpu.core_type = #tpu.core_type<tc>, window_params = [{transform_indices = @transform_0, window_bounds = array<i64: 2, 2000, 1>}, {transform_indices = @transform_1, window_bounds = array<i64: 2, 2000, 128>}, {transform_indices = @transform_2, window_bounds = array<i64: 2000, 128>}, {pipeline_mode = #tpu.pipeline_mode<synchronous>, transform_indices = @transform_3, window_bounds = array<i64: 1, 64>}, {transform_indices = @transform_4, window_bounds = array<i64: 2000, 64>}]} {
    %get3A = arith.constant 0 : index
    %get3A_0 = arith.constant 0 : index
    %get3A_1 = arith.constant 0 : index
    %get3A_2 = vector.load %arg1[%get3A, %get3A_0, %get3A_1] : memref<2x2000x1xf32, #tpu.memory_space<vmem>>, vector<2x2000x1xf32>
    %slice3A = vector.extract_strided_slice %get3A_2 {offsets = [0, 0, 0], sizes = [1, 2000, 1], strides = [1, 1, 1]} : vector<2x2000x1xf32> to vector<1x2000x1xf32>
    %squeeze3A = vector.shape_cast %slice3A : vector<1x2000x1xf32> to vector<2000x1xf32>
    %slice3A_3 = vector.extract_strided_slice %get3A_2 {offsets = [1, 0, 0], sizes = [1, 2000, 1], strides = [1, 1, 1]} : vector<2x2000x1xf32> to vector<1x2000x1xf32>
    %squeeze3A_4 = vector.shape_cast %slice3A_3 : vector<1x2000x1xf32> to vector<2000x1xf32>
    %add3A = arith.addf %squeeze3A, %squeeze3A_4 : vector<2000x1xf32>
    %add3A_5 = arith.constant 1.000000e+00 : f32
    %add3A_6 = vector.broadcast %add3A_5 : f32 to vector<2000x1xf32>
    %add3A_7 = arith.addf %add3A, %add3A_6 : vector<2000x1xf32>
    %rsqrt3A = math.rsqrt %add3A_7 : vector<2000x1xf32>
    %get3A_8 = arith.constant 0 : index
    %get3A_9 = arith.constant 0 : index
    %get3A_10 = arith.constant 0 : index
    %get3A_11 = vector.load %arg2[%get3A_8, %get3A_9, %get3A_10] : memref<2x2000x128xf32, #tpu.memory_space<vmem>>, vector<2x2000x128xf32>
    %slice3A_12 = vector.extract_strided_slice %get3A_11 {offsets = [0, 0, 0], sizes = [1, 2000, 128], strides = [1, 1, 1]} : vector<2x2000x128xf32> to vector<1x2000x128xf32>
    %squeeze3A_13 = vector.shape_cast %slice3A_12 : vector<1x2000x128xf32> to vector<2000x128xf32>
    %slice3A_14 = vector.extract_strided_slice %get3A_11 {offsets = [1, 0, 0], sizes = [1, 2000, 128], strides = [1, 1, 1]} : vector<2x2000x128xf32> to vector<1x2000x128xf32>
    %squeeze3A_15 = vector.shape_cast %slice3A_14 : vector<1x2000x128xf32> to vector<2000x128xf32>
    %add3A_16 = arith.addf %squeeze3A_13, %squeeze3A_15 : vector<2000x128xf32>
    %get3A_17 = arith.constant 0 : index
    %get3A_18 = arith.constant 0 : index
    %get3A_19 = vector.load %arg3[%get3A_17, %get3A_18] : memref<2000x128xf32, #tpu.memory_space<vmem>>, vector<2000x128xf32>
    %add3A_20 = arith.addf %add3A_16, %get3A_19 : vector<2000x128xf32>
    %mul3A = vector.broadcast %rsqrt3A : vector<2000x1xf32> to vector<2000x128xf32>
    %mul3A_21 = arith.mulf %mul3A, %add3A_20 : vector<2000x128xf32>
    %slice3A_22 = vector.extract_strided_slice %mul3A_21 {offsets = [0, 0], sizes = [2000, 64], strides = [1, 1]} : vector<2000x128xf32> to vector<2000x64xf32>
    %get3A_23 = arith.constant 0 : index
    %get3A_24 = arith.constant 0 : index
    %get3A_25 = vector.load %arg4[%get3A_23, %get3A_24] : memref<1x64xf32, #tpu.memory_space<vmem>>, vector<1x64xf32>
    %add3A_26 = vector.broadcast %get3A_25 : vector<1x64xf32> to vector<2000x64xf32>
    %add3A_27 = arith.addf %slice3A_22, %add3A_26 : vector<2000x64xf32>
    %reduce_max3A = arith.constant dense<0xFF800000> : vector<2000xf32>
    %reduce_max3A_28 = vector.multi_reduction <maximumf>, %add3A_27, %reduce_max3A [1] : vector<2000x64xf32> to vector<2000xf32>
    %broadcast_in_dim3A = vector.shape_cast %reduce_max3A_28 : vector<2000xf32> to vector<2000x1xf32>
    %sub3A = vector.broadcast %broadcast_in_dim3A : vector<2000x1xf32> to vector<2000x64xf32>
    %sub3A_29 = arith.subf %add3A_27, %sub3A : vector<2000x64xf32>
    %exp3A = math.exp %sub3A_29 : vector<2000x64xf32>
    %reduce_sum3A = arith.constant dense<0.000000e+00> : vector<2000xf32>
    %reduce_sum3A_30 = vector.multi_reduction <add>, %exp3A, %reduce_sum3A [1] : vector<2000x64xf32> to vector<2000xf32>
    %broadcast_in_dim3A_31 = vector.shape_cast %reduce_sum3A_30 : vector<2000xf32> to vector<2000x1xf32>
    %log3A = math.log %broadcast_in_dim3A_31 : vector<2000x1xf32>
    %add3A_32 = arith.addf %log3A, %broadcast_in_dim3A : vector<2000x1xf32>
    %sub3A_33 = vector.broadcast %add3A_32 : vector<2000x1xf32> to vector<2000x64xf32>
    %sub3A_34 = arith.subf %add3A_27, %sub3A_33 : vector<2000x64xf32>
    %swap3A = arith.constant 0 : index
    %swap3A_35 = arith.constant 0 : index
    %swap3A_36 = vector.load %arg5[%swap3A, %swap3A_35] : memref<2000x64xf32, #tpu.memory_space<vmem>>, vector<2000x64xf32>
    tpu.vector_store %arg5[%swap3A, %swap3A_35], %sub3A_34 {strides = array<i32>} : memref<2000x64xf32, #tpu.memory_space<vmem>>, vector<2000x64xf32>,
    return
  }
  func.func @transform_0(%arg0: i32) -> (i32, i32, i32) {
    %c0_i32 = arith.constant 0 : i32
    %c0_i32_0 = arith.constant 0 : i32
    %c0_i32_1 = arith.constant 0 : i32
    return %c0_i32, %arg0, %c0_i32_0 : i32, i32, i32
  }
  func.func @transform_1(%arg0: i32) -> (i32, i32, i32) {
    %c0_i32 = arith.constant 0 : i32
    %c0_i32_0 = arith.constant 0 : i32
    %c0_i32_1 = arith.constant 0 : i32
    return %c0_i32, %arg0, %c0_i32_0 : i32, i32, i32
  }
  func.func @transform_2(%arg0: i32) -> (i32, i32) {
    %c0_i32 = arith.constant 0 : i32
    %c0_i32_0 = arith.constant 0 : i32
    return %arg0, %c0_i32 : i32, i32
  }
  func.func @transform_3(%arg0: i32) -> (i32, i32) {
    %c0_i32 = arith.constant 0 : i32
    %c0_i32_0 = arith.constant 0 : i32
    %c0_i32_1 = arith.constant 0 : i32
    return %c0_i32, %c0_i32_0 : i32, i32
  }
  func.func @transform_4(%arg0: i32) -> (i32, i32) {
    %c0_i32 = arith.constant 0 : i32
    %c0_i32_0 = arith.constant 0 : i32
    return %arg0, %c0_i32 : i32, i32
  }
}

module attributes {stable_mosaic.version = 14 : i64} {
  func.func @_mid_body(%arg0: i32, %arg1: memref<2x2000x1xf32, #tpu.memory_space<vmem>>, %arg2: memref<2x2000x128xf32, #tpu.memory_space<vmem>>, %arg3: memref<2000x128xf32, #tpu.memory_space<vmem>>, %arg4: memref<1x128xf32, #tpu.memory_space<vmem>>, %arg5: memref<128x64xf32, #tpu.memory_space<vmem>>, %arg6: memref<2000x128xf32, #tpu.memory_space<vmem>>, %arg7: memref<2000x128xf32, #tpu.memory_space<vmem>>) attributes {dimension_semantics = [#tpu.dimension_semantics<arbitrary>], iteration_bounds = array<i64: 5>, scalar_prefetch = 0 : i64, scratch_operands = 0 : i64, tpu.core_type = #tpu.core_type<tc>, window_params = [{transform_indices = @transform_0, window_bounds = array<i64: 2, 2000, 1>}, {transform_indices = @transform_1, window_bounds = array<i64: 2, 2000, 128>}, {transform_indices = @transform_2, window_bounds = array<i64: 2000, 128>}, {pipeline_mode = #tpu.pipeline_mode<synchronous>, transform_indices = @transform_3, window_bounds = array<i64: 1, 128>}, {pipeline_mode = #tpu.pipeline_mode<synchronous>, transform_indices = @transform_4, window_bounds = array<i64: 128, 64>}, {transform_indices = @transform_5, window_bounds = array<i64: 2000, 128>}, {transform_indices = @transform_6, window_bounds = array<i64: 2000, 128>}]} {
    %get3A = arith.constant 0 : index
    %get3A_0 = arith.constant 0 : index
    %get3A_1 = arith.constant 0 : index
    %get3A_2 = vector.load %arg1[%get3A, %get3A_0, %get3A_1] : memref<2x2000x1xf32, #tpu.memory_space<vmem>>, vector<2x2000x1xf32>
    %slice3A = vector.extract_strided_slice %get3A_2 {offsets = [0, 0, 0], sizes = [1, 2000, 1], strides = [1, 1, 1]} : vector<2x2000x1xf32> to vector<1x2000x1xf32>
    %squeeze3A = vector.shape_cast %slice3A : vector<1x2000x1xf32> to vector<2000x1xf32>
    %slice3A_3 = vector.extract_strided_slice %get3A_2 {offsets = [1, 0, 0], sizes = [1, 2000, 1], strides = [1, 1, 1]} : vector<2x2000x1xf32> to vector<1x2000x1xf32>
    %squeeze3A_4 = vector.shape_cast %slice3A_3 : vector<1x2000x1xf32> to vector<2000x1xf32>
    %add3A = arith.addf %squeeze3A, %squeeze3A_4 : vector<2000x1xf32>
    %add3A_5 = arith.constant 1.000000e+00 : f32
    %add3A_6 = vector.broadcast %add3A_5 : f32 to vector<2000x1xf32>
    %add3A_7 = arith.addf %add3A, %add3A_6 : vector<2000x1xf32>
    %rsqrt3A = math.rsqrt %add3A_7 : vector<2000x1xf32>
    %get3A_8 = arith.constant 0 : index
    %get3A_9 = arith.constant 0 : index
    %get3A_10 = arith.constant 0 : index
    %get3A_11 = vector.load %arg2[%get3A_8, %get3A_9, %get3A_10] : memref<2x2000x128xf32, #tpu.memory_space<vmem>>, vector<2x2000x128xf32>
    %slice3A_12 = vector.extract_strided_slice %get3A_11 {offsets = [0, 0, 0], sizes = [1, 2000, 128], strides = [1, 1, 1]} : vector<2x2000x128xf32> to vector<1x2000x128xf32>
    %squeeze3A_13 = vector.shape_cast %slice3A_12 : vector<1x2000x128xf32> to vector<2000x128xf32>
    %slice3A_14 = vector.extract_strided_slice %get3A_11 {offsets = [1, 0, 0], sizes = [1, 2000, 128], strides = [1, 1, 1]} : vector<2x2000x128xf32> to vector<1x2000x128xf32>
    %squeeze3A_15 = vector.shape_cast %slice3A_14 : vector<1x2000x128xf32> to vector<2000x128xf32>
    %add3A_16 = arith.addf %squeeze3A_13, %squeeze3A_15 : vector<2000x128xf32>
    %get3A_17 = arith.constant 0 : index
    %get3A_18 = arith.constant 0 : index
    %get3A_19 = vector.load %arg3[%get3A_17, %get3A_18] : memref<2000x128xf32, #tpu.memory_space<vmem>>, vector<2000x128xf32>
    %add3A_20 = arith.addf %add3A_16, %get3A_19 : vector<2000x128xf32>
    %mul3A = vector.broadcast %rsqrt3A : vector<2000x1xf32> to vector<2000x128xf32>
    %mul3A_21 = arith.mulf %mul3A, %add3A_20 : vector<2000x128xf32>
    %get3A_22 = arith.constant 0 : index
    %get3A_23 = arith.constant 0 : index
    %get3A_24 = vector.load %arg4[%get3A_22, %get3A_23] : memref<1x128xf32, #tpu.memory_space<vmem>>, vector<1x128xf32>
    %add3A_25 = vector.broadcast %get3A_24 : vector<1x128xf32> to vector<2000x128xf32>
    %add3A_26 = arith.addf %mul3A_21, %add3A_25 : vector<2000x128xf32>
    %max3A = arith.constant 0.000000e+00 : f32
    %max3A_27 = vector.broadcast %max3A : f32 to vector<2000x128xf32>
    %max3A_28 = arith.maximumf %add3A_26, %max3A_27 : vector<2000x128xf32>
    %swap3A = arith.constant 0 : index
    %swap3A_29 = arith.constant 0 : index
    %swap3A_30 = vector.load %arg6[%swap3A, %swap3A_29] : memref<2000x128xf32, #tpu.memory_space<vmem>>, vector<2000x128xf32>
    tpu.vector_store %arg6[%swap3A, %swap3A_29], %max3A_28 {strides = array<i32>} : memref<2000x128xf32, #tpu.memory_space<vmem>>, vector<2000x128xf32>,
    %get3A_31 = arith.constant 0 : index
    %get3A_32 = arith.constant 0 : index
    %get3A_33 = vector.load %arg5[%get3A_31, %get3A_32] : memref<128x64xf32, #tpu.memory_space<vmem>>, vector<128x64xf32>
    %dot_general3A = arith.constant dense<0.000000e+00> : vector<2000x64xf32>
    %dot_general3A_34 = tpu.matmul %max3A_28, %get3A_33, %dot_general3A {dimension_numbers = #tpu.dot_dimension_numbers<[1], [0], [0], [1], [0, 0, 1, 1], [], []>, transpose_lhs_hint = false} : vector<2000x128xf32>, vector<128x64xf32>, vector<2000x64xf32> -> vector<2000x64xf32>
    %mul3A_35 = vector.broadcast %rsqrt3A : vector<2000x1xf32> to vector<2000x64xf32>
    %mul3A_36 = arith.mulf %mul3A_35, %dot_general3A_34 : vector<2000x64xf32>
    %broadcast_in_dim3A = arith.constant 0.000000e+00 : f32
    %broadcast_in_dim3A_37 = vector.broadcast %broadcast_in_dim3A : f32 to vector<2000x64xf32>
    %concatenate3A = tpu.concatenate %mul3A_36, %broadcast_in_dim3A_37 in 1 : vector<2000x64xf32>, vector<2000x64xf32> -> vector<2000x128xf32>
    %swap3A_38 = arith.constant 0 : index
    %swap3A_39 = arith.constant 0 : index
    %swap3A_40 = vector.load %arg7[%swap3A_38, %swap3A_39] : memref<2000x128xf32, #tpu.memory_space<vmem>>, vector<2000x128xf32>
    tpu.vector_store %arg7[%swap3A_38, %swap3A_39], %concatenate3A {strides = array<i32>} : memref<2000x128xf32, #tpu.memory_space<vmem>>, vector<2000x128xf32>,
    return
  }
  func.func @transform_0(%arg0: i32) -> (i32, i32, i32) {
    %c0_i32 = arith.constant 0 : i32
    %c0_i32_0 = arith.constant 0 : i32
    %c0_i32_1 = arith.constant 0 : i32
    return %c0_i32, %arg0, %c0_i32_0 : i32, i32, i32
  }
  func.func @transform_1(%arg0: i32) -> (i32, i32, i32) {
    %c0_i32 = arith.constant 0 : i32
    %c0_i32_0 = arith.constant 0 : i32
    %c0_i32_1 = arith.constant 0 : i32
    return %c0_i32, %arg0, %c0_i32_0 : i32, i32, i32
  }
  func.func @transform_2(%arg0: i32) -> (i32, i32) {
    %c0_i32 = arith.constant 0 : i32
    %c0_i32_0 = arith.constant 0 : i32
    return %arg0, %c0_i32 : i32, i32
  }
  func.func @transform_3(%arg0: i32) -> (i32, i32) {
    %c0_i32 = arith.constant 0 : i32
    %c0_i32_0 = arith.constant 0 : i32
    %c0_i32_1 = arith.constant 0 : i32
    return %c0_i32, %c0_i32_0 : i32, i32
  }
  func.func @transform_4(%arg0: i32) -> (i32, i32) {
    %c0_i32 = arith.constant 0 : i32
    %c0_i32_0 = arith.constant 0 : i32
    %c0_i32_1 = arith.constant 0 : i32
    return %c0_i32, %c0_i32_0 : i32, i32
  }
  func.func @transform_5(%arg0: i32) -> (i32, i32) {
    %c0_i32 = arith.constant 0 : i32
    %c0_i32_0 = arith.constant 0 : i32
    return %arg0, %c0_i32 : i32, i32
  }
  func.func @transform_6(%arg0: i32) -> (i32, i32) {
    %c0_i32 = arith.constant 0 : i32
    %c0_i32_0 = arith.constant 0 : i32
    return %arg0, %c0_i32 : i32, i32
  }
}

</mosaic_0001>

<sc_bundles>
// kernel: kernel.11.cloned.1.call-start
scs
__scs_entry_jumppad:
0x0: {  	(pc) =	sbr.rel $0x88, $3  }
0x1: {  	(tag) =	ssettag $0x0;
	lr =	simm.s32 $0x1  }
0x2: {  	[smem:$0x3F9B] =	sst lr;
	_ =	strace $0xD0000000  }
0x3: {  	_ = 	snop  }
0x4: {  	_ = 	snop  }
0x5: {  	_ = 	snop  }
0x6: {  	_ = 	snop  }
0x7: {  	_ = 	snop  }
__scs_overlays_trampoline_lowered:
0x8: {  	[smem:$0x3FAA] =	sst s0  }
0x9: {  	[smem:$0x3FAB] =	sst s1  }
0xa: {  	[smem:$0x3FAC] =	sst s2  }
0xb: {  	[smem:$0x3FAD] =	sst s3  }
0xc: {  	[smem:$0x3FAE] =	sst s4  }
0xd: {  	[smem:$0x3FAF] =	sst s5  }
0xe: {  	[smem:$0x3FB0] =	sst s6  }
0xf: {  	[smem:$0x3FB1] =	sst s7  }
0x10: {  	[smem:$0x3FB2] =	sst s8  }
0x11: {  	[smem:$0x3FB3] =	sst s9;
	s0 =	simm.s32 @!p0 $0x0  }
0x12: {  	s1 =	sld [smem:$0x3F99];
	s0 =	simm.s32 @p0 $0x1  }
0x13: {  	[smem:$0x3FB4] =	sst s0;
	s0 =	simm.s32 @!p1 $0x0  }
0x14: {  	s2 =	sld [smem:$0x3F98];
	s0 =	simm.s32 @p1 $0x1  }
0x15: {  	[smem:$0x3FB5] =	sst s0;
	s0 =	simm.s32 @!p2 $0x0  }
0x16: {  	s3 =	sld [smem:$0x3FDB];
	s0 =	simm.s32 @p2 $0x1  }
0x17: {  	s4 =	simm.s32 $0x1BF5;
	[smem:$0x3FB7] =	sst s0  }
0x18: {  	s0 =	sld [smem:$0x3F9A];
	_ =	swait.ge [sflag:s4], $0x0  }
0x19: {  	s7 =	sld [smem:$0x3F9B]  }
0x1a: {  	s8 =	sadd.s32 $0xFFFFE003, lr  }
0x1b: {  	s9 =	sadd.s32 $0xFFFFFEF7, lr;
	s5 =	simm.s32 $0xFFFFFFFF;
	p2 =	slt.u32 s8, $0xFFFFF086  }
0x1c: {  	p1 =	slt.u32 s9, $0xF7A;
	s5 =	simm.s32 @!p2 $0x0  }
0x1d: {  	s5 =	simm.s32 @p1 $0x1;
	p0 =	seq.s32 s7, s2  }
0x1e: {  	s7 =	smul.u32 @!p0 $0xF7A, s2;
	p2 =	seq.s32 @!p0 s5, $0x0  }
0x1f: {  	s9 =	smul.u32 $0xF7A, s1;
	s8 =	simm.s32 @!p0 $0x1BF5;
	p2 =	por !p2, p0  }
0x20: {  	[sflag:s8] =	ssyncset.s32 @!p0 $0xFFFFF086;
	s6 =	sadd.s32 @!p0 s3, s7;
	s7 =	simm.s32 @!p0 $0x108  }
0x21: {  	s3 =	sadd.s32 s3, s9;
	s6 =	sadd.s32 @!p0 $0x88, s6;
	s7 =	simm.s32 @p2 $0x1082  }
0x22: {  	[simem:s7], [sflag:s8] =	dma.local @!p0 [hbm:s6], $0xF7A  }
0x23: {  	s9 =	sor.u32 $0xD0000000, s2;
	s6 =	simm.s32 $0x108;
	_ =	swait.ge @!p0 [sflag:s8], $0x0  }
0x24: {  	s3 =	sadd.s32 $0x88, s3;
	s6 =	simm.s32 @!p1 $0x1082;
	[sflag:s4] =	ssyncset.s32 $0xFFFFF086  }
0x25: {  	[simem:s6], [sflag:s4] =	dma.local [hbm:s3], $0xF7A  }
0x26: {  	[smem:$0x3F9B] =	sst s1;
	(tag) =	ssettag s2;
	_ =	strace s9  }
0x27: {  	s1 =	sld [smem:$0x3FAB]  }
0x28: {  	s2 =	sld [smem:$0x3FAC]  }
0x29: {  	s4 =	sld [smem:$0x3FAE]  }
0x2a: {  	p0 =	seq.s32 s5, $0x0;
	s5 =	sld [smem:$0x3FAF]  }
0x2b: {  	s6 =	sld [smem:$0x3FB0]  }
0x2c: {  	s7 =	sld [smem:$0x3FB1]  }
0x2d: {  	s3 =	simm.s32 $0x108;
	s8 =	sld [smem:$0x3FB2]  }
0x2e: {  	s3 =	simm.s32 @!p0 $0x1082;
	s9 =	sld [smem:$0x3FB3]  }
0x2f: {  	lr =	sadd.s32 s0, s3;
	s0 =	sld [smem:$0x3FAA]  }
0x30: {  	s3 =	sld [smem:$0x3FAD]  }
0x31: {  	[smem:$0x3FB6] =	sst s10  }
0x32: {  	s10 =	sld [smem:$0x3FB4];
	_ =	sdelay $0x3  }
0x33: {  	p0 =	seq.s32 s10, $0x1;
	s10 =	sld [smem:$0x3FB6];
	_ =	sdelay $0x3  }
0x34: {  	[smem:$0x3FB6] =	sst s10  }
0x35: {  	s10 =	sld [smem:$0x3FB5];
	_ =	sdelay $0x3  }
0x36: {  	p1 =	seq.s32 s10, $0x1;
	s10 =	sld [smem:$0x3FB6];
	_ =	sdelay $0x3  }
0x37: {  	[smem:$0x3FB6] =	sst s10  }
0x38: {  	s10 =	sld [smem:$0x3FB7]  }
0x39: {  	_ = 	snop;
	(pc) =	sbr.ind lr, $3  }
0x3a: {  	_ = 	snop  }
0x3b: {  	_ = 	snop  }
0x3c: {  	p2 =	seq.s32 s10, $0x1;
	s10 =	sld [smem:$0x3FB6]  }
0x3d: {  	_ =	shalt  }
0x3e: {  	_ =	shalt  }
0x3f: {  	_ =	shalt  }
0x40: {  	_ =	shalt  }
0x41: {  	_ =	shalt  }
0x42: {  	_ =	shalt  }
0x43: {  	_ =	shalt  }
0x44: {  	_ =	shalt  }
0x45: {  	_ =	shalt  }
0x46: {  	_ =	shalt  }
0x47: {  	_ =	shalt  }
0x48: {  	_ =	shalt  }
0x49: {  	_ =	shalt  }
0x4a: {  	_ =	shalt  }
0x4b: {  	_ =	shalt  }
0x4c: {  	_ =	shalt  }
0x4d: {  	_ =	shalt  }
0x4e: {  	_ =	shalt  }
0x4f: {  	_ =	shalt  }
0x50: {  	_ =	shalt  }
0x51: {  	_ =	shalt  }
0x52: {  	_ =	shalt  }
0x53: {  	_ =	shalt  }
0x54: {  	_ =	shalt  }
0x55: {  	_ =	shalt  }
0x56: {  	_ =	shalt  }
0x57: {  	_ =	shalt  }
0x58: {  	_ =	shalt  }
0x59: {  	_ =	shalt  }
0x5a: {  	_ =	shalt  }
0x5b: {  	_ =	shalt  }
0x5c: {  	_ =	shalt  }
0x5d: {  	_ =	shalt  }
0x5e: {  	_ =	shalt  }
0x5f: {  	_ =	shalt  }
0x60: {  	_ =	shalt  }
0x61: {  	_ =	shalt  }
0x62: {  	_ =	shalt  }
0x63: {  	_ =	shalt  }
0x64: {  	_ =	shalt  }
0x65: {  	_ =	shalt  }
0x66: {  	_ =	shalt  }
0x67: {  	_ =	shalt  }
0x68: {  	_ =	shalt  }
0x69: {  	_ =	shalt  }
0x6a: {  	_ =	shalt  }
0x6b: {  	_ =	shalt  }
0x6c: {  	_ =	shalt  }
0x6d: {  	_ =	shalt  }
0x6e: {  	_ =	shalt  }
0x6f: {  	_ =	shalt  }
0x70: {  	_ =	shalt  }
0x71: {  	_ =	shalt  }
0x72: {  	_ =	shalt  }
0x73: {  	_ =	shalt  }
0x74: {  	_ =	shalt  }
0x75: {  	_ =	shalt  }
0x76: {  	_ =	shalt  }
0x77: {  	_ =	shalt  }
0x78: {  	_ =	shalt  }
0x79: {  	_ =	shalt  }
0x7a: {  	_ =	shalt  }
0x7b: {  	_ =	shalt  }
0x7c: {  	_ =	shalt  }
0x7d: {  	_ =	shalt  }
0x7e: {  	_ =	shalt  }
0x7f: {  	_ =	shalt  }
0x80: {  	_ =	shalt  }
0x81: {  	_ =	shalt  }
0x82: {  	_ =	shalt  }
0x83: {  	_ =	shalt  }
0x84: {  	_ =	shalt  }
0x85: {  	_ =	shalt  }
0x86: {  	_ =	shalt  }
0x87: {  	_ =	shalt  }
.Lfunc_end0:
.L_simem_size_0:
called_computation.1_lowered:
.L_overlay_start_0:
0x88: {  	s2 =	sld [smem:$0x3FD9]  }
0x89: {  	s3 =	sld [smem:$0x3FFE];
	_ =	sdelay $0x1  }
0x8a: {  	s1 =	srdreg.scid  }
0x8b: {  	s0 =	sand.u32 $0x1, s1  }
0x8c: {  	s14 =	sshll.u32 s0, $0xA;
	s2 =	sadd.s32 s3, s2  }
0x8d: {  	s2 =	sadd.s32 s2, s14  }
0x8e: {  	[smem:$0x3FC2] =	sst s2  }
0x8f: {  	_ = 	snop  }
0x90: {  	s2 =	sld [smem:$0x3FD0];
	_ =	sdelay $0x2  }
0x91: {  	s15 =	simm.s32 $0xA;
	s4 =	simm.s32 $0x10  }
0x92: {  	[smem:s4], [sflag:s15] =	dma.local [hbm:s2], $0x1  }
0x93: {  	_ =	swait.eq [sflag:s15], $0x1  }
0x94: {  	[sflag:s15] =	ssyncset.done $0x0  }
0x95: {  	s16 =	sld [smem:$0x10];
	[sflag:s15] =	ssyncadd.s32 $0xFFFFFFFF  }
0x96: {  	s17 =	sld [smem:$0x11];
	(tm) =	ssettm $0x1  }
0x97: {  	s18 =	sld [smem:$0x3FFB];
	_ =	sdelay $0x3  }
0x98: {  	_ =	strace s18  }
0x99: {  	s4 =	sld [smem:$0x3FFC];
	_ =	sdelay $0x3  }
0x9a: {  	_ =	strace s4  }
0x9b: {  	s4 =	sld [smem:$0x3FFD];
	_ =	sdelay $0x3  }
0x9c: {  	_ =	strace s4  }
0x9d: {  	_ =	strace $0x8FFFFFFF  }
0x9e: {  	s19 =	sld [smem:$0x3FDB];
	_ =	sdelay $0x1  }
0x9f: {  	s5 =	simm.s32 $_scs_section_size  }
0xa0: {  	s6 =	simm.s32 $_size__tile_overlayer_lowered;
	s7 =	simm.s32 $_tile_overlayer_lowered  }
0xa1: {  	s22 =	simm.s32 $0x1BFF;
	s21 =	sshll.u32 s7, $0x1;
	s4 =	sadd.s32 s5, s19  }
0xa2: {  	s8 =	simm.s32 $0x0;
	s20 =	sshll.u32 s6, $0x1;
	s6 =	sadd.s32 s21, s4  }
0xa3: {  	[timem:s8], [sflag:s22] =	dma.local [hbm:s6], s20  }
0xa4: {  	_ =	swait.ge [sflag:s22], s20  }
0xa5: {  	s5 =	ssub.s32 $0x0, s20;
	[sflag:s22] =	ssyncset.done $0x0  }
0xa6: {  	[sflag:s22] =	ssyncadd.s32 s5;
	_ =	sdelay $0x1  }
0xa7: {  	s23 =	simm.s32 $0x1B8B  }
0xa8: {  	_ =	swait.ge [sflag:s23], $0x1  }
0xa9: {  	[sflag:s23] =	ssyncset.done $0x0  }
0xaa: {  	s25 =	simm.s32 $0x1B8E;
	s24 =	sld [smem:$0x3FFE];
	[sflag:s23] =	ssyncadd.s32 $0xFFFFFFFF  }
0xab: {  	s26 =	simm.s32 $execute0_lowered;
	[smem:$0x3FD2] =	sst s25  }
0xac: {  	s6 =	sshll.u32 s26, $0x1;
	_ =	strace $0x80000049;
	[dreg:$0x1] =	wrdreg $0xFFFFFFFF  }
0xad: {  	s28 =	simm.s32 $_size_execute0_lowered;
	s4 =	sadd.s32 s4, s6;
	[dreg:$0x0] =	wrdreg $0x0  }
0xae: {  	s6 =	sshll.u32 s28, $0x1;
	[dreg:$0x2] =	wrdreg s4  }
0xaf: {  	[dreg:$0x3] =	wrdreg s6  }
0xb0: {  	[dreg:$0x4] =	wrdreg $0xC0  }
0xb1: {  	_ =	task [dreg:s8], $0x5FFFF  }
0xb2: {  	[dreg:$0x1] =	wrdreg $0xFFFFFFFF  }
0xb3: {  	[dreg:$0x0] =	wrdreg $0x60  }
0xb4: {  	[dreg:$0x2] =	wrdreg s17  }
0xb5: {  	[dreg:$0x3] =	wrdreg s16  }
0xb6: {  	[dreg:$0x4] =	wrdreg s24  }
0xb7: {  	[dreg:$0x5] =	wrdreg $0xA8000  }
0xb8: {  	[dreg:$0x6] =	wrdreg $0x9  }
0xb9: {  	_ =	task.clear_ibuf [dreg:s8], $0x7FFFF;
	_ =	strace $0x90000049  }
0xba: {  	s29 =	simm.s32 $0x9;
	_ =	strace $0x8000004B  }
0xbb: {  	_ =	swait.ge [sflag:s29], $0x1  }
0xbc: {  	[sflag:s29] =	ssyncadd.s32 $0xFFFFFFFF  }
0xbd: {  	_ =	strace $0x9000004B  }
0xbe: {  	_ =	sfence  }
0xbf: {  	s30 =	sld [smem:$0x0];
	_ =	sdelay $0x2  }
0xc0: {  	s31 =	sshll.u32 s1, $0xD;
	s1 =	sshrl.u32 s1, $0x2  }
0xc1: {  	s3 =	sand.u32 $0x4000, s31;
	s1 =	sadd.s32 s1, s30  }
0xc2: {  	s0 =	sor.u32 s3, s0;
	s1 =	sshll.u32 s1, $0x11  }
0xc3: {  	s0 =	sor.u32 s1, s0  }
0xc4: {  	s0 =	sadd.s32 $0x8F2B, s0  }
0xc5: {  	[sflag:s0] =	ssyncadd.remote.s32 $0x1  }
0xc6: {  	_ =	sfence.sel $0xFFFF  }
0xc7: {  	[dreg:$0x0] =	wrdreg $0xFFFFFFFF;
	(pc) =	sbr.abs _section_cstart, $3  }
0xc8: {  	[dreg:$0x1] =	wrdreg $0xFFFFFFFF  }
0xc9: {  	_ =	task.clear_ibuf [dreg:s8], $0x2FFFF;
	_ =	strace $0x9FFFFFFF  }
0xca: {  	(tm) =	ssettm $0x7FFFFFFF  }
0xcb: {  	_ =	shalt  }
tec
execute0_lowered:
.L_overlay_start_1:
0x0: {  	(tag) =	ssettag $0x1  }
0x1: {  	s1 =	rddreg [dreg:$0x0]  }
0x2: {  	s3 =	rddreg [dreg:$0x1]  }
0x3: {  	s7 =	rddreg [dreg:$0x2]  }
0x4: {  	s4 =	rddreg [dreg:$0x3]  }
0x5: {  	s0 =	rddreg [dreg:$0x4]  }
0x6: {  	s2 =	stileid.u32;
	s6 =	srdreg.scid;
	s5 =	simm.s32 $0x0  }
0x7: {  	s14 =	simm.s32 $0x1400;
	s15 =	simm.s32 $0x80;
	s16 =	simm.s32 $0x2800  }
0x8: {  	s17 =	simm.s32 $0x1;
	s18 =	simm.s32 $0x6800;
	s19 =	simm.s32 $0x2  }
0x9: {  	s21 =	simm.s32 $0x2700;
	s22 =	simm.s32 $0x2780;
	s8 =	smul.u32 $0x14000, s2  }
0xa: {  	s20 =	sand.u32 $0x1, s6;
	[smem:$0x7FF] =	sst s5;
	s26 =	smul.u32 $0x50000, s2  }
0xb: {  	s6 =	sadd.s32 $0x2600, s7;
	s30 =	smul.u32 $0x28, s2;
	s31 =	sshll.u32 s2, $0x6  }
0xc: {  	s9 =	smul.u32 $0x140000, s20;
	_ =	strace $0x8000004A;
	s11 =	ssub.s32 $0x2, s20  }
0xd: {  	p0 =	seq.s32 s20, $0x0;
	s10 =	sshrl.u32 s8, $0x3;
	s28 =	sshrl.u32 s11, $0x1  }
0xe: {  	s29 =	sshrl.u32 s26, $0x2;
	s8 =	sadd.s32 s8, s9;
	s10 =	sadd.s32 s10, s7  }
0xf: {  	s11 =	ssub.s32 s11, s28;
	s13 =	sadd.s32 s29, s4;
	s8 =	sshrl.u32 s8, $0x3  }
0x10: {  	s12 =	sadd.s32 s8, s7;
	s7 =	sadd.s32 $0xC600, s10;
	s10 =	smul.u32 $0x78, s2  }
0x11: {  	s9 =	sadd.s32 $0x780, s30;
	s11 =	smax.u32 s11, $0x1;
	s8 =	sor.u32 $0x1C03, s31  }
0x12: {  	s9 =	smov.u32 @p0 s10;
	s10 =	sadd.s32 $0x34600, s12;
	s12 =	sshrl.u32 s13, $0x3  }
0x13: {  	s13 =	simm.s32 $0x3;
	p0 =	sne.s32 s20, $0x0;
	s20 =	simm.s32 $0x1380  }
.LBB2_1:
0x14: {  	[spmem:s12], [sflag:s8] =	dma.local [hbm:s7], $0x2800  }
0x15: {  	_ =	swait.ge [sflag:s13], $0x2800  }
0x16: {  	[sflag:s13] =	ssyncset.done $0x0  }
0x17: {  	[sflag:s13] =	ssyncadd.s32 $0xFFFFD800  }
0x18: {  	s23 =	simm.s32 $0x0;
	[bflag:$0x0] =	sbarrier.arrive $0xFFFF  }
.LBB2_2:
0x19: {  	s24 =	smul.u32 $0x28, s23;
	_ =	sdelay $0x1  }
0x1a: {  	s24 =	sadd.s32 s9, s24  }
0x1b: {  	s24 =	sshll.u32 s24, $0x4  }
0x1c: {  	s26 =	simm.s32 $0x0;
	s25 =	sadd.s32 s3, s24  }
0x1d: {  	[tilespmem:s26], [sflag:$0x3] =	stream.linear.gather [hbm4b:s25+s26], $0x1400, $0x38;
	[tilespmem:$0x1E800] =	vst v63  }
0x1e: {  	_ =	swait.ge [sflag:s13], $0x1400  }
0x1f: {  	[sflag:s13] =	ssyncset.done $0x0  }
0x20: {  	s24 =	sadd.s32 s6, s24;
	[sflag:s13] =	ssyncadd.s32 $0xFFFFEC00  }
0x21: {  	[tilespmem:s14], [sflag:$0x3] =	stream.linear.gather [hbm4b:s24+s26], $0x1400, $0x38;
	[tilespmem:$0x1E800] =	vst v63  }
0x22: {  	_ =	swait.ge [sflag:s13], $0x1400  }
0x23: {  	[sflag:s13] =	ssyncset.done $0x0  }
0x24: {  	[sflag:s13] =	ssyncadd.s32 $0xFFFFEC00  }
0x25: {  	[tilespmem:s16], [sflag:$0x1] =	stream.indirect.gather [hbm4b:s1+s15], $0x80, s26, s15, $0xb8;
	[tilespmem:$0x1E800] =	vst v63  }
0x26: {  	_ =	swait.ge [sflag:s17], $0x4000  }
0x27: {  	[sflag:s17] =	ssyncset.done $0x0  }
0x28: {  	s28 =	simm.s32 $0x80;
	[sflag:s17] =	ssyncadd.s32 $0xFFFFC000  }
0x29: {  	[tilespmem:s18], [sflag:$0x2] =	stream.indirect.gather [hbm4b:s1+s15], $0x80, s28, s15, $0xb8;
	[tilespmem:$0x1E800] =	vst v63  }
0x2a: {  	s29 =	simm.s32 $0x1400  }
0x2b: {  	[spmem:s4] =	stream.indirect.scatter.add.f32 [tilespmem:s16], [sflag:$0x3], $0x80, s29, s15, $0xb8;
	[tilespmem:$0x1E800] =	vst v63  }
0x2c: {  	_ =	swait.ge [sflag:s13], $0x4000  }
0x2d: {  	[sflag:s13] =	ssyncset.done $0x0  }
0x2e: {  	[sflag:s13] =	ssyncadd.s32 $0xFFFFC000  }
0x2f: {  	_ =	swait.ge [sflag:s19], $0x4000  }
0x30: {  	[sflag:s19] =	ssyncset.done $0x0  }
0x31: {  	s30 =	simm.s32 $0x100;
	[sflag:s19] =	ssyncadd.s32 $0xFFFFC000  }
0x32: {  	[tilespmem:s16], [sflag:$0x1] =	stream.indirect.gather [hbm4b:s1+s15], $0x80, s30, s15, $0xb8;
	[tilespmem:$0x1E800] =	vst v63  }
0x33: {  	s31 =	simm.s32 $0x1480  }
0x34: {  	[spmem:s4] =	stream.indirect.scatter.add.f32 [tilespmem:s18], [sflag:$0x3], $0x80, s31, s15, $0xb8;
	[tilespmem:$0x1E800] =	vst v63  }
0x35: {  	_ =	swait.ge [sflag:s13], $0x4000  }
0x36: {  	s24 =	simm.s32 $0x400;
	[sflag:s13] =	ssyncset.done $0x0  }
.LBB2_3:
0x37: {  	p1 =	sne.s32 s24, $0x4800  }
0x38: {  	[sflag:s13] =	ssyncadd.s32 $0xFFFFC000;
	s25 =	smov.u32 s24;
	s24 =	sadd.s32 $0x400, s24  }
0x39: {  	_ = 	snop  }
0x3a: {  	_ =	swait.ge [sflag:s17], $0x4000  }
0x3b: {  	s25 =	sshra.s32 s25, $0x2;
	[sflag:s17] =	ssyncset.done $0x0  }
0x3c: {  	s26 =	sadd.s32 $0x80, s25;
	[sflag:s17] =	ssyncadd.s32 $0xFFFFC000  }
0x3d: {  	[tilespmem:s18], [sflag:$0x2] =	stream.indirect.gather [hbm4b:s1+s15], $0x80, s26, s15, $0xb8;
	[tilespmem:$0x1E800] =	vst v63  }
0x3e: {  	s26 =	sadd.s32 $0x1400, s25  }
0x3f: {  	[spmem:s4] =	stream.indirect.scatter.add.f32 [tilespmem:s16], [sflag:$0x3], $0x80, s26, s15, $0xb8;
	[tilespmem:$0x1E800] =	vst v63  }
0x40: {  	_ =	swait.ge [sflag:s13], $0x4000  }
0x41: {  	[sflag:s13] =	ssyncset.done $0x0  }
0x42: {  	[sflag:s13] =	ssyncadd.s32 $0xFFFFC000  }
0x43: {  	_ =	swait.ge [sflag:s19], $0x4000  }
0x44: {  	[sflag:s19] =	ssyncset.done $0x0  }
0x45: {  	s26 =	sadd.s32 $0x100, s25;
	[sflag:s19] =	ssyncadd.s32 $0xFFFFC000  }
0x46: {  	[tilespmem:s16], [sflag:$0x1] =	stream.indirect.gather [hbm4b:s1+s15], $0x80, s26, s15, $0xb8;
	[tilespmem:$0x1E800] =	vst v63  }
.Ltmp0:
0x47: {  	_ = 	snop;
	(pc) =	sbr.rel @p1 .LBB2_3-.Ltmp0, $4  }
0x48: {  	s25 =	sadd.s32 $0x1480, s25  }
0x49: {  	[spmem:s4] =	stream.indirect.scatter.add.f32 [tilespmem:s18], [sflag:$0x3], $0x80, s25, s15, $0xb8;
	[tilespmem:$0x1E800] =	vst v63  }
0x4a: {  	_ =	swait.ge [sflag:s13], $0x4000  }
0x4b: {  	[sflag:s13] =	ssyncset.done $0x0  }
0x4c: {  	[sflag:s13] =	ssyncadd.s32 $0xFFFFC000  }
0x4d: {  	_ =	swait.ge [sflag:s17], $0x4000  }
0x4e: {  	[sflag:s17] =	ssyncset.done $0x0  }
0x4f: {  	[sflag:s17] =	ssyncadd.s32 $0xFFFFC000  }
0x50: {  	[tilespmem:s18], [sflag:$0x2] =	stream.indirect.gather [hbm4b:s1+s15], $0x80, s20, s15, $0xb8;
	[tilespmem:$0x1E800] =	vst v63  }
0x51: {  	_ = 	snop  }
0x52: {  	[spmem:s4] =	stream.indirect.scatter.add.f32 [tilespmem:s16], [sflag:$0x3], $0x80, s21, s15, $0xb8;
	[tilespmem:$0x1E800] =	vst v63  }
0x53: {  	_ =	swait.ge [sflag:s13], $0x4000  }
0x54: {  	[sflag:s13] =	ssyncset.done $0x0  }
0x55: {  	[sflag:s13] =	ssyncadd.s32 $0xFFFFC000  }
0x56: {  	p1 =	slt.u32 @!p0 s23, $0x2;
	_ =	swait.ge [sflag:s19], $0x4000  }
0x57: {  	p1 =	por p0, !p1;
	[sflag:s19] =	ssyncset.done $0x0  }
.Ltmp1:
0x58: {  	[sflag:s19] =	ssyncadd.s32 $0xFFFFC000;
	(pc) =	sbr.rel @!p1 .LBB2_2-.Ltmp1, $4  }
0x59: {  	[spmem:s4] =	stream.indirect.scatter.add.f32 [tilespmem:s18], [sflag:$0x3], $0x80, s22, s15, $0xb8;
	[tilespmem:$0x1E800] =	vst v63  }
0x5a: {  	_ =	swait.ge [sflag:s13], $0x4000  }
0x5b: {  	[sflag:s13] =	ssyncset.done $0x0  }
0x5c: {  	s23 =	sadd.s32 $0x1, s23;
	[sflag:s13] =	ssyncadd.s32 $0xFFFFC000  }
0x5d: {  	s5 =	sadd.s32 $0x1, s5  }
0x5e: {  	p1 =	sne.s32 s5, s11  }
.Ltmp2:
0x5f: {  	[bflag:$0x0] =	sbarrier.arrive $0xFFFF;
	(pc) =	sbr.rel @p1 .LBB2_1-.Ltmp2, $4  }
0x60: {  	[hbm:s10], [sflag:s8] =	dma.local [spmem:s12], $0x2800  }
0x61: {  	_ =	swait.ge [sflag:s13], $0x2800  }
0x62: {  	[sflag:s13] =	ssyncset.done $0x0  }
0x63: {  	[sflag:s13] =	ssyncadd.s32 $0xFFFFD800  }
0x64: {  	_ =	sfence.sel $0x180000  }
0x65: {  	[bflag:$0x0] =	sbarrier.arrive $0xFFFF  }
0x66: {  	p0 =	sne.s32 s2, $0x0;
	_ =	strace $0x9000004A  }
0x67: {  	s0 =	sadd.s32 @!p0 $0x100000, s0;
	[bflag:$0x2] =	sbarrier.arrive $0xFFFF  }
0x68: {  	[sflag:s0] =	ssyncadd.tile.s32 @!p0 $0x1;
	_ =	shalt  }
.Lfunc_end2:
_tile_overlayer_lowered:
.L_overlay_start_2:
0x69: {  	(tag) =	ssettag $0x2  }
0x6a: {  	s0 =	rddreg [dreg:$0x0];
	s2 =	stileid.u32  }
0x6b: {  	s1 =	rddreg [dreg:$0x1];
	p0 =	sne.s32 s2, $0x0  }
0x6c: {  	s3 =	rddreg [dreg:$0x2];
	[bflag:$0x3] =	sbarrier.arrive $0xFFFF;
	s2 =	simm.s32 @!p0 $0x1C03  }
0x6d: {  	[timem:s3], [sflag:s2] =	dma.local @!p0 [hbm:s0], s1  }
0x6e: {  	s0 =	simm.s32 @!p0 $0x3  }
0x6f: {  	_ =	swait.ge @!p0 [sflag:s0], s1  }
0x70: {  	s1 =	ssub.s32 @!p0 $0x0, s1;
	[sflag:s0] =	ssyncset.done @!p0 $0x0  }
0x71: {  	[sflag:s0] =	ssyncadd.s32 @!p0 s1  }
0x72: {  	[bflag:$0x3] =	sbarrier.arrive $0xFFFF  }
0x73: {  	_ =	shalt  }

// kernel: kernel.14.cloned.1.call-start
scs
__scs_entry_jumppad:
0x0: {  	(pc) =	sbr.rel $0x88, $3  }
0x1: {  	(tag) =	ssettag $0x0;
	lr =	simm.s32 $0x1  }
0x2: {  	[smem:$0x3F9B] =	sst lr;
	_ =	strace $0xD0000000  }
0x3: {  	_ = 	snop  }
0x4: {  	_ = 	snop  }
0x5: {  	_ = 	snop  }
0x6: {  	_ = 	snop  }
0x7: {  	_ = 	snop  }
__scs_overlays_trampoline_lowered:
0x8: {  	[smem:$0x3FAA] =	sst s0  }
0x9: {  	[smem:$0x3FAB] =	sst s1  }
0xa: {  	[smem:$0x3FAC] =	sst s2  }
0xb: {  	[smem:$0x3FAD] =	sst s3  }
0xc: {  	[smem:$0x3FAE] =	sst s4  }
0xd: {  	[smem:$0x3FAF] =	sst s5  }
0xe: {  	[smem:$0x3FB0] =	sst s6  }
0xf: {  	[smem:$0x3FB1] =	sst s7  }
0x10: {  	[smem:$0x3FB2] =	sst s8  }
0x11: {  	[smem:$0x3FB3] =	sst s9;
	s0 =	simm.s32 @!p0 $0x0  }
0x12: {  	s1 =	sld [smem:$0x3F99];
	s0 =	simm.s32 @p0 $0x1  }
0x13: {  	[smem:$0x3FB4] =	sst s0;
	s0 =	simm.s32 @!p1 $0x0  }
0x14: {  	s2 =	sld [smem:$0x3F98];
	s0 =	simm.s32 @p1 $0x1  }
0x15: {  	[smem:$0x3FB5] =	sst s0;
	s0 =	simm.s32 @!p2 $0x0  }
0x16: {  	s3 =	sld [smem:$0x3FDB];
	s0 =	simm.s32 @p2 $0x1  }
0x17: {  	s4 =	simm.s32 $0x1BF5;
	[smem:$0x3FB7] =	sst s0  }
0x18: {  	s0 =	sld [smem:$0x3F9A];
	_ =	swait.ge [sflag:s4], $0x0  }
0x19: {  	s7 =	sld [smem:$0x3F9B]  }
0x1a: {  	s8 =	sadd.s32 $0xFFFFE003, lr  }
0x1b: {  	s9 =	sadd.s32 $0xFFFFFEF7, lr;
	s5 =	simm.s32 $0xFFFFFFFF;
	p2 =	slt.u32 s8, $0xFFFFF086  }
0x1c: {  	p1 =	slt.u32 s9, $0xF7A;
	s5 =	simm.s32 @!p2 $0x0  }
0x1d: {  	s5 =	simm.s32 @p1 $0x1;
	p0 =	seq.s32 s7, s2  }
0x1e: {  	s7 =	smul.u32 @!p0 $0xF7A, s2;
	p2 =	seq.s32 @!p0 s5, $0x0  }
0x1f: {  	s9 =	smul.u32 $0xF7A, s1;
	s8 =	simm.s32 @!p0 $0x1BF5;
	p2 =	por !p2, p0  }
0x20: {  	[sflag:s8] =	ssyncset.s32 @!p0 $0xFFFFF086;
	s6 =	sadd.s32 @!p0 s3, s7;
	s7 =	simm.s32 @!p0 $0x108  }
0x21: {  	s3 =	sadd.s32 s3, s9;
	s6 =	sadd.s32 @!p0 $0x88, s6;
	s7 =	simm.s32 @p2 $0x1082  }
0x22: {  	[simem:s7], [sflag:s8] =	dma.local @!p0 [hbm:s6], $0xF7A  }
0x23: {  	s9 =	sor.u32 $0xD0000000, s2;
	s6 =	simm.s32 $0x108;
	_ =	swait.ge @!p0 [sflag:s8], $0x0  }
0x24: {  	s3 =	sadd.s32 $0x88, s3;
	s6 =	simm.s32 @!p1 $0x1082;
	[sflag:s4] =	ssyncset.s32 $0xFFFFF086  }
0x25: {  	[simem:s6], [sflag:s4] =	dma.local [hbm:s3], $0xF7A  }
0x26: {  	[smem:$0x3F9B] =	sst s1;
	(tag) =	ssettag s2;
	_ =	strace s9  }
0x27: {  	s1 =	sld [smem:$0x3FAB]  }
0x28: {  	s2 =	sld [smem:$0x3FAC]  }
0x29: {  	s4 =	sld [smem:$0x3FAE]  }
0x2a: {  	p0 =	seq.s32 s5, $0x0;
	s5 =	sld [smem:$0x3FAF]  }
0x2b: {  	s6 =	sld [smem:$0x3FB0]  }
0x2c: {  	s7 =	sld [smem:$0x3FB1]  }
0x2d: {  	s3 =	simm.s32 $0x108;
	s8 =	sld [smem:$0x3FB2]  }
0x2e: {  	s3 =	simm.s32 @!p0 $0x1082;
	s9 =	sld [smem:$0x3FB3]  }
0x2f: {  	lr =	sadd.s32 s0, s3;
	s0 =	sld [smem:$0x3FAA]  }
0x30: {  	s3 =	sld [smem:$0x3FAD]  }
0x31: {  	[smem:$0x3FB6] =	sst s10  }
0x32: {  	s10 =	sld [smem:$0x3FB4];
	_ =	sdelay $0x3  }
0x33: {  	p0 =	seq.s32 s10, $0x1;
	s10 =	sld [smem:$0x3FB6];
	_ =	sdelay $0x3  }
0x34: {  	[smem:$0x3FB6] =	sst s10  }
0x35: {  	s10 =	sld [smem:$0x3FB5];
	_ =	sdelay $0x3  }
0x36: {  	p1 =	seq.s32 s10, $0x1;
	s10 =	sld [smem:$0x3FB6];
	_ =	sdelay $0x3  }
0x37: {  	[smem:$0x3FB6] =	sst s10  }
0x38: {  	s10 =	sld [smem:$0x3FB7]  }
0x39: {  	_ = 	snop;
	(pc) =	sbr.ind lr, $3  }
0x3a: {  	_ = 	snop  }
0x3b: {  	_ = 	snop  }
0x3c: {  	p2 =	seq.s32 s10, $0x1;
	s10 =	sld [smem:$0x3FB6]  }
0x3d: {  	_ =	shalt  }
0x3e: {  	_ =	shalt  }
0x3f: {  	_ =	shalt  }
0x40: {  	_ =	shalt  }
0x41: {  	_ =	shalt  }
0x42: {  	_ =	shalt  }
0x43: {  	_ =	shalt  }
0x44: {  	_ =	shalt  }
0x45: {  	_ =	shalt  }
0x46: {  	_ =	shalt  }
0x47: {  	_ =	shalt  }
0x48: {  	_ =	shalt  }
0x49: {  	_ =	shalt  }
0x4a: {  	_ =	shalt  }
0x4b: {  	_ =	shalt  }
0x4c: {  	_ =	shalt  }
0x4d: {  	_ =	shalt  }
0x4e: {  	_ =	shalt  }
0x4f: {  	_ =	shalt  }
0x50: {  	_ =	shalt  }
0x51: {  	_ =	shalt  }
0x52: {  	_ =	shalt  }
0x53: {  	_ =	shalt  }
0x54: {  	_ =	shalt  }
0x55: {  	_ =	shalt  }
0x56: {  	_ =	shalt  }
0x57: {  	_ =	shalt  }
0x58: {  	_ =	shalt  }
0x59: {  	_ =	shalt  }
0x5a: {  	_ =	shalt  }
0x5b: {  	_ =	shalt  }
0x5c: {  	_ =	shalt  }
0x5d: {  	_ =	shalt  }
0x5e: {  	_ =	shalt  }
0x5f: {  	_ =	shalt  }
0x60: {  	_ =	shalt  }
0x61: {  	_ =	shalt  }
0x62: {  	_ =	shalt  }
0x63: {  	_ =	shalt  }
0x64: {  	_ =	shalt  }
0x65: {  	_ =	shalt  }
0x66: {  	_ =	shalt  }
0x67: {  	_ =	shalt  }
0x68: {  	_ =	shalt  }
0x69: {  	_ =	shalt  }
0x6a: {  	_ =	shalt  }
0x6b: {  	_ =	shalt  }
0x6c: {  	_ =	shalt  }
0x6d: {  	_ =	shalt  }
0x6e: {  	_ =	shalt  }
0x6f: {  	_ =	shalt  }
0x70: {  	_ =	shalt  }
0x71: {  	_ =	shalt  }
0x72: {  	_ =	shalt  }
0x73: {  	_ =	shalt  }
0x74: {  	_ =	shalt  }
0x75: {  	_ =	shalt  }
0x76: {  	_ =	shalt  }
0x77: {  	_ =	shalt  }
0x78: {  	_ =	shalt  }
0x79: {  	_ =	shalt  }
0x7a: {  	_ =	shalt  }
0x7b: {  	_ =	shalt  }
0x7c: {  	_ =	shalt  }
0x7d: {  	_ =	shalt  }
0x7e: {  	_ =	shalt  }
0x7f: {  	_ =	shalt  }
0x80: {  	_ =	shalt  }
0x81: {  	_ =	shalt  }
0x82: {  	_ =	shalt  }
0x83: {  	_ =	shalt  }
0x84: {  	_ =	shalt  }
0x85: {  	_ =	shalt  }
0x86: {  	_ =	shalt  }
0x87: {  	_ =	shalt  }
.Lfunc_end0:
.L_simem_size_0:
called_computation.2_lowered:
.L_overlay_start_0:
0x88: {  	s2 =	sld [smem:$0x3FD9]  }
0x89: {  	s3 =	sld [smem:$0x3FFE];
	_ =	sdelay $0x1  }
0x8a: {  	s1 =	srdreg.scid  }
0x8b: {  	s0 =	sand.u32 $0x1, s1  }
0x8c: {  	s14 =	sshll.u32 s0, $0xA;
	s2 =	sadd.s32 s3, s2  }
0x8d: {  	s2 =	sadd.s32 s2, s14  }
0x8e: {  	[smem:$0x3FC2] =	sst s2  }
0x8f: {  	_ = 	snop  }
0x90: {  	s2 =	sld [smem:$0x3FD0];
	_ =	sdelay $0x2  }
0x91: {  	s15 =	simm.s32 $0xA;
	s4 =	simm.s32 $0x10  }
0x92: {  	[smem:s4], [sflag:s15] =	dma.local [hbm:s2], $0x1  }
0x93: {  	_ =	swait.eq [sflag:s15], $0x1  }
0x94: {  	[sflag:s15] =	ssyncset.done $0x0  }
0x95: {  	[sflag:s15] =	ssyncadd.s32 $0xFFFFFFFF  }
0x96: {  	s16 =	sld [smem:$0x10];
	(tm) =	ssettm $0x1  }
0x97: {  	s17 =	sld [smem:$0x3FFB];
	_ =	sdelay $0x3  }
0x98: {  	_ =	strace s17  }
0x99: {  	s3 =	sld [smem:$0x3FFC];
	_ =	sdelay $0x3  }
0x9a: {  	_ =	strace s3  }
0x9b: {  	s3 =	sld [smem:$0x3FFD];
	_ =	sdelay $0x3  }
0x9c: {  	_ =	strace s3  }
0x9d: {  	_ =	strace $0x8FFFFFFF  }
0x9e: {  	s18 =	sld [smem:$0x3FDB];
	_ =	sdelay $0x1  }
0x9f: {  	s19 =	simm.s32 $_scs_section_size  }
0xa0: {  	s5 =	simm.s32 $_size__tile_overlayer_lowered;
	s6 =	simm.s32 $_tile_overlayer_lowered  }
0xa1: {  	s22 =	simm.s32 $0x1BFF;
	s21 =	sshll.u32 s6, $0x1;
	s3 =	sadd.s32 s19, s18  }
0xa2: {  	s7 =	simm.s32 $0x0;
	s20 =	sshll.u32 s5, $0x1;
	s5 =	sadd.s32 s21, s3  }
0xa3: {  	[timem:s7], [sflag:s22] =	dma.local [hbm:s5], s20  }
0xa4: {  	_ =	swait.ge [sflag:s22], s20  }
0xa5: {  	s4 =	ssub.s32 $0x0, s20;
	[sflag:s22] =	ssyncset.done $0x0  }
0xa6: {  	[sflag:s22] =	ssyncadd.s32 s4;
	_ =	sdelay $0x1  }
0xa7: {  	s23 =	simm.s32 $0x1B8B  }
0xa8: {  	_ =	swait.ge [sflag:s23], $0x1  }
0xa9: {  	[sflag:s23] =	ssyncset.done $0x0  }
0xaa: {  	s25 =	simm.s32 $0x1B8E;
	s24 =	sld [smem:$0x3FFE];
	[sflag:s23] =	ssyncadd.s32 $0xFFFFFFFF  }
0xab: {  	s26 =	simm.s32 $execute0_lowered;
	[smem:$0x3FD2] =	sst s25  }
0xac: {  	s5 =	sshll.u32 s26, $0x1;
	_ =	strace $0x8000004C;
	[dreg:$0x1] =	wrdreg $0xFFFFFFFF  }
0xad: {  	s28 =	simm.s32 $_size_execute0_lowered;
	s3 =	sadd.s32 s3, s5;
	[dreg:$0x0] =	wrdreg $0x0  }
0xae: {  	s5 =	sshll.u32 s28, $0x1;
	[dreg:$0x2] =	wrdreg s3  }
0xaf: {  	[dreg:$0x3] =	wrdreg s5  }
0xb0: {  	[dreg:$0x4] =	wrdreg $0xC0  }
0xb1: {  	_ =	task [dreg:s7], $0x5FFFF  }
0xb2: {  	[dreg:$0x1] =	wrdreg $0xFFFFFFFF  }
0xb3: {  	[dreg:$0x0] =	wrdreg $0x60  }
0xb4: {  	[dreg:$0x2] =	wrdreg s24  }
0xb5: {  	[dreg:$0x3] =	wrdreg s16  }
0xb6: {  	[dreg:$0x4] =	wrdreg $0xA8000  }
0xb7: {  	[dreg:$0x5] =	wrdreg $0x9  }
0xb8: {  	_ =	task.clear_ibuf [dreg:s7], $0x6FFFF;
	_ =	strace $0x9000004C  }
0xb9: {  	s29 =	simm.s32 $0x9;
	_ =	strace $0x8000004E  }
0xba: {  	_ =	swait.ge [sflag:s29], $0x1  }
0xbb: {  	[sflag:s29] =	ssyncadd.s32 $0xFFFFFFFF  }
0xbc: {  	_ =	strace $0x9000004E  }
0xbd: {  	_ =	sfence  }
0xbe: {  	s30 =	sld [smem:$0x0];
	_ =	sdelay $0x2  }
0xbf: {  	s31 =	sshll.u32 s1, $0xD;
	s1 =	sshrl.u32 s1, $0x2  }
0xc0: {  	s3 =	sand.u32 $0x4000, s31;
	s1 =	sadd.s32 s1, s30  }
0xc1: {  	s0 =	sor.u32 s3, s0;
	s1 =	sshll.u32 s1, $0x11  }
0xc2: {  	s0 =	sor.u32 s1, s0  }
0xc3: {  	s0 =	sadd.s32 $0x8F2B, s0  }
0xc4: {  	[sflag:s0] =	ssyncadd.remote.s32 $0x1  }
0xc5: {  	_ =	sfence.sel $0xFFFF  }
0xc6: {  	[dreg:$0x0] =	wrdreg $0xFFFFFFFF;
	(pc) =	sbr.abs _section_cstart, $3  }
0xc7: {  	[dreg:$0x1] =	wrdreg $0xFFFFFFFF  }
0xc8: {  	_ =	task.clear_ibuf [dreg:s7], $0x2FFFF;
	_ =	strace $0x9FFFFFFF  }
0xc9: {  	(tm) =	ssettm $0x7FFFFFFF  }
tec
execute0_lowered:
.L_overlay_start_1:
0x0: {  	(tag) =	ssettag $0x1  }
0x1: {  	s7 =	rddreg [dreg:$0x0]  }
0x2: {  	s2 =	rddreg [dreg:$0x1]  }
0x3: {  	s3 =	rddreg [dreg:$0x2]  }
0x4: {  	s0 =	rddreg [dreg:$0x3];
	s1 =	stileid.u32  }
0x5: {  	s5 =	srdreg.scid;
	s4 =	simm.s32 $0x0;
	s14 =	simm.s32 $0x1400  }
0x6: {  	s15 =	simm.s32 $0x80;
	s16 =	simm.s32 $0x2800;
	s17 =	simm.s32 $0x1  }
0x7: {  	s18 =	simm.s32 $0x6800;
	s19 =	simm.s32 $0x2;
	s21 =	simm.s32 $0x2700  }
0x8: {  	s22 =	simm.s32 $0x2780;
	s8 =	smul.u32 $0x14000, s1;
	s20 =	sand.u32 $0x1, s5  }
0x9: {  	[smem:$0x7FF] =	sst s4;
	s5 =	sadd.s32 $0x34600, s7;
	s26 =	smul.u32 $0x50000, s1  }
0xa: {  	s6 =	sadd.s32 $0x2600, s7;
	s30 =	smul.u32 $0x28, s1;
	s31 =	sshll.u32 s1, $0x6  }
0xb: {  	s9 =	smul.u32 $0x140000, s20;
	_ =	strace $0x8000004D;
	s11 =	ssub.s32 $0x2, s20  }
0xc: {  	p0 =	seq.s32 s20, $0x0;
	s10 =	sshrl.u32 s8, $0x3;
	s28 =	sshrl.u32 s11, $0x1  }
0xd: {  	s29 =	sshrl.u32 s26, $0x2;
	s8 =	sadd.s32 s8, s9;
	s10 =	sadd.s32 s10, s7  }
0xe: {  	s11 =	ssub.s32 s11, s28;
	s13 =	sadd.s32 s29, s3;
	s8 =	sshrl.u32 s8, $0x3  }
0xf: {  	s12 =	sadd.s32 s8, s7;
	s7 =	sadd.s32 $0xC600, s10;
	s10 =	smul.u32 $0x78, s1  }
0x10: {  	s9 =	sadd.s32 $0x780, s30;
	s11 =	smax.u32 s11, $0x1;
	s8 =	sor.u32 $0x1C03, s31  }
0x11: {  	s9 =	smov.u32 @p0 s10;
	s10 =	sadd.s32 $0x5B800, s12;
	s12 =	sshrl.u32 s13, $0x3  }
0x12: {  	s13 =	simm.s32 $0x3;
	p0 =	sne.s32 s20, $0x0;
	s20 =	simm.s32 $0x1380  }
.LBB2_1:
0x13: {  	[spmem:s12], [sflag:s8] =	dma.local [hbm:s7], $0x2800  }
0x14: {  	_ =	swait.ge [sflag:s13], $0x2800  }
0x15: {  	[sflag:s13] =	ssyncset.done $0x0  }
0x16: {  	[sflag:s13] =	ssyncadd.s32 $0xFFFFD800  }
0x17: {  	s23 =	simm.s32 $0x0;
	[bflag:$0x0] =	sbarrier.arrive $0xFFFF  }
.LBB2_2:
0x18: {  	s24 =	smul.u32 $0x28, s23;
	_ =	sdelay $0x1  }
0x19: {  	s24 =	sadd.s32 s9, s24  }
0x1a: {  	s24 =	sshll.u32 s24, $0x4  }
0x1b: {  	s26 =	simm.s32 $0x0;
	s25 =	sadd.s32 s2, s24  }
0x1c: {  	[tilespmem:s26], [sflag:$0x3] =	stream.linear.gather [hbm4b:s25+s26], $0x1400, $0x38;
	[tilespmem:$0x1E800] =	vst v63  }
0x1d: {  	_ =	swait.ge [sflag:s13], $0x1400  }
0x1e: {  	[sflag:s13] =	ssyncset.done $0x0  }
0x1f: {  	s24 =	sadd.s32 s6, s24;
	[sflag:s13] =	ssyncadd.s32 $0xFFFFEC00  }
0x20: {  	[tilespmem:s14], [sflag:$0x3] =	stream.linear.gather [hbm4b:s24+s26], $0x1400, $0x38;
	[tilespmem:$0x1E800] =	vst v63  }
0x21: {  	_ =	swait.ge [sflag:s13], $0x1400  }
0x22: {  	[sflag:s13] =	ssyncset.done $0x0  }
0x23: {  	[sflag:s13] =	ssyncadd.s32 $0xFFFFEC00  }
0x24: {  	[tilespmem:s16], [sflag:$0x1] =	stream.indirect.gather [hbm4b:s5+s15], $0x80, s26, s15, $0xb8;
	[tilespmem:$0x1E800] =	vst v63  }
0x25: {  	_ =	swait.ge [sflag:s17], $0x4000  }
0x26: {  	[sflag:s17] =	ssyncset.done $0x0  }
0x27: {  	s28 =	simm.s32 $0x80;
	[sflag:s17] =	ssyncadd.s32 $0xFFFFC000  }
0x28: {  	[tilespmem:s18], [sflag:$0x2] =	stream.indirect.gather [hbm4b:s5+s15], $0x80, s28, s15, $0xb8;
	[tilespmem:$0x1E800] =	vst v63  }
0x29: {  	s29 =	simm.s32 $0x1400  }
0x2a: {  	[spmem:s3] =	stream.indirect.scatter.add.f32 [tilespmem:s16], [sflag:$0x3], $0x80, s29, s15, $0xb8;
	[tilespmem:$0x1E800] =	vst v63  }
0x2b: {  	_ =	swait.ge [sflag:s13], $0x4000  }
0x2c: {  	[sflag:s13] =	ssyncset.done $0x0  }
0x2d: {  	[sflag:s13] =	ssyncadd.s32 $0xFFFFC000  }
0x2e: {  	_ =	swait.ge [sflag:s19], $0x4000  }
0x2f: {  	[sflag:s19] =	ssyncset.done $0x0  }
0x30: {  	s30 =	simm.s32 $0x100;
	[sflag:s19] =	ssyncadd.s32 $0xFFFFC000  }
0x31: {  	[tilespmem:s16], [sflag:$0x1] =	stream.indirect.gather [hbm4b:s5+s15], $0x80, s30, s15, $0xb8;
	[tilespmem:$0x1E800] =	vst v63  }
0x32: {  	s31 =	simm.s32 $0x1480  }
0x33: {  	[spmem:s3] =	stream.indirect.scatter.add.f32 [tilespmem:s18], [sflag:$0x3], $0x80, s31, s15, $0xb8;
	[tilespmem:$0x1E800] =	vst v63  }
0x34: {  	_ =	swait.ge [sflag:s13], $0x4000  }
0x35: {  	s24 =	simm.s32 $0x400;
	[sflag:s13] =	ssyncset.done $0x0  }
.LBB2_3:
0x36: {  	p1 =	sne.s32 s24, $0x4800  }
0x37: {  	[sflag:s13] =	ssyncadd.s32 $0xFFFFC000;
	s25 =	smov.u32 s24;
	s24 =	sadd.s32 $0x400, s24  }
0x38: {  	_ = 	snop  }
0x39: {  	_ =	swait.ge [sflag:s17], $0x4000  }
0x3a: {  	s25 =	sshra.s32 s25, $0x2;
	[sflag:s17] =	ssyncset.done $0x0  }
0x3b: {  	s26 =	sadd.s32 $0x80, s25;
	[sflag:s17] =	ssyncadd.s32 $0xFFFFC000  }
0x3c: {  	[tilespmem:s18], [sflag:$0x2] =	stream.indirect.gather [hbm4b:s5+s15], $0x80, s26, s15, $0xb8;
	[tilespmem:$0x1E800] =	vst v63  }
0x3d: {  	s26 =	sadd.s32 $0x1400, s25  }
0x3e: {  	[spmem:s3] =	stream.indirect.scatter.add.f32 [tilespmem:s16], [sflag:$0x3], $0x80, s26, s15, $0xb8;
	[tilespmem:$0x1E800] =	vst v63  }
0x3f: {  	_ =	swait.ge [sflag:s13], $0x4000  }
0x40: {  	[sflag:s13] =	ssyncset.done $0x0  }
0x41: {  	[sflag:s13] =	ssyncadd.s32 $0xFFFFC000  }
0x42: {  	_ =	swait.ge [sflag:s19], $0x4000  }
0x43: {  	[sflag:s19] =	ssyncset.done $0x0  }
0x44: {  	s26 =	sadd.s32 $0x100, s25;
	[sflag:s19] =	ssyncadd.s32 $0xFFFFC000  }
0x45: {  	[tilespmem:s16], [sflag:$0x1] =	stream.indirect.gather [hbm4b:s5+s15], $0x80, s26, s15, $0xb8;
	[tilespmem:$0x1E800] =	vst v63  }
.Ltmp0:
0x46: {  	_ = 	snop;
	(pc) =	sbr.rel @p1 .LBB2_3-.Ltmp0, $4  }
0x47: {  	s25 =	sadd.s32 $0x1480, s25  }
0x48: {  	[spmem:s3] =	stream.indirect.scatter.add.f32 [tilespmem:s18], [sflag:$0x3], $0x80, s25, s15, $0xb8;
	[tilespmem:$0x1E800] =	vst v63  }
0x49: {  	_ =	swait.ge [sflag:s13], $0x4000  }
0x4a: {  	[sflag:s13] =	ssyncset.done $0x0  }
0x4b: {  	[sflag:s13] =	ssyncadd.s32 $0xFFFFC000  }
0x4c: {  	_ =	swait.ge [sflag:s17], $0x4000  }
0x4d: {  	[sflag:s17] =	ssyncset.done $0x0  }
0x4e: {  	[sflag:s17] =	ssyncadd.s32 $0xFFFFC000  }
0x4f: {  	[tilespmem:s18], [sflag:$0x2] =	stream.indirect.gather [hbm4b:s5+s15], $0x80, s20, s15, $0xb8;
	[tilespmem:$0x1E800] =	vst v63  }
0x50: {  	_ = 	snop  }
0x51: {  	[spmem:s3] =	stream.indirect.scatter.add.f32 [tilespmem:s16], [sflag:$0x3], $0x80, s21, s15, $0xb8;
	[tilespmem:$0x1E800] =	vst v63  }
0x52: {  	_ =	swait.ge [sflag:s13], $0x4000  }
0x53: {  	[sflag:s13] =	ssyncset.done $0x0  }
0x54: {  	[sflag:s13] =	ssyncadd.s32 $0xFFFFC000  }
0x55: {  	p1 =	slt.u32 @!p0 s23, $0x2;
	_ =	swait.ge [sflag:s19], $0x4000  }
0x56: {  	p1 =	por p0, !p1;
	[sflag:s19] =	ssyncset.done $0x0  }
.Ltmp1:
0x57: {  	[sflag:s19] =	ssyncadd.s32 $0xFFFFC000;
	(pc) =	sbr.rel @!p1 .LBB2_2-.Ltmp1, $4  }
0x58: {  	[spmem:s3] =	stream.indirect.scatter.add.f32 [tilespmem:s18], [sflag:$0x3], $0x80, s22, s15, $0xb8;
	[tilespmem:$0x1E800] =	vst v63  }
0x59: {  	_ =	swait.ge [sflag:s13], $0x4000  }
0x5a: {  	[sflag:s13] =	ssyncset.done $0x0  }
0x5b: {  	s23 =	sadd.s32 $0x1, s23;
	[sflag:s13] =	ssyncadd.s32 $0xFFFFC000  }
0x5c: {  	s4 =	sadd.s32 $0x1, s4  }
0x5d: {  	p1 =	sne.s32 s4, s11  }
.Ltmp2:
0x5e: {  	[bflag:$0x0] =	sbarrier.arrive $0xFFFF;
	(pc) =	sbr.rel @p1 .LBB2_1-.Ltmp2, $4  }
0x5f: {  	[hbm:s10], [sflag:s8] =	dma.local [spmem:s12], $0x2800  }
0x60: {  	_ =	swait.ge [sflag:s13], $0x2800  }
0x61: {  	[sflag:s13] =	ssyncset.done $0x0  }
0x62: {  	[sflag:s13] =	ssyncadd.s32 $0xFFFFD800  }
0x63: {  	_ =	sfence.sel $0x180000  }
0x64: {  	[bflag:$0x0] =	sbarrier.arrive $0xFFFF  }
0x65: {  	p0 =	sne.s32 s1, $0x0;
	_ =	strace $0x9000004D  }
0x66: {  	s0 =	sadd.s32 @!p0 $0x100000, s0;
	[bflag:$0x2] =	sbarrier.arrive $0xFFFF  }
0x67: {  	[sflag:s0] =	ssyncadd.tile.s32 @!p0 $0x1;
	_ =	shalt  }
.Lfunc_end2:
_tile_overlayer_lowered:
.L_overlay_start_2:
0x68: {  	(tag) =	ssettag $0x2  }
0x69: {  	s0 =	rddreg [dreg:$0x0];
	s2 =	stileid.u32  }
0x6a: {  	s1 =	rddreg [dreg:$0x1];
	p0 =	sne.s32 s2, $0x0  }
0x6b: {  	s3 =	rddreg [dreg:$0x2];
	[bflag:$0x3] =	sbarrier.arrive $0xFFFF;
	s2 =	simm.s32 @!p0 $0x1C03  }
0x6c: {  	[timem:s3], [sflag:s2] =	dma.local @!p0 [hbm:s0], s1  }
0x6d: {  	s0 =	simm.s32 @!p0 $0x3  }
0x6e: {  	_ =	swait.ge @!p0 [sflag:s0], s1  }
0x6f: {  	s1 =	ssub.s32 @!p0 $0x0, s1;
	[sflag:s0] =	ssyncset.done @!p0 $0x0  }
0x70: {  	[sflag:s0] =	ssyncadd.s32 @!p0 s1  }
0x71: {  	[bflag:$0x3] =	sbarrier.arrive $0xFFFF  }
0x72: {  	_ =	shalt  }

// kernel: kernel.8.cloned.1.call-start
scs
__scs_entry_jumppad:
0x0: {  	(pc) =	sbr.rel $0x88, $3  }
0x1: {  	(tag) =	ssettag $0x0;
	lr =	simm.s32 $0x1  }
0x2: {  	[smem:$0x3F9B] =	sst lr;
	_ =	strace $0xD0000000  }
0x3: {  	_ = 	snop  }
0x4: {  	_ = 	snop  }
0x5: {  	_ = 	snop  }
0x6: {  	_ = 	snop  }
0x7: {  	_ = 	snop  }
__scs_overlays_trampoline_lowered:
0x8: {  	[smem:$0x3FAA] =	sst s0  }
0x9: {  	[smem:$0x3FAB] =	sst s1  }
0xa: {  	[smem:$0x3FAC] =	sst s2  }
0xb: {  	[smem:$0x3FAD] =	sst s3  }
0xc: {  	[smem:$0x3FAE] =	sst s4  }
0xd: {  	[smem:$0x3FAF] =	sst s5  }
0xe: {  	[smem:$0x3FB0] =	sst s6  }
0xf: {  	[smem:$0x3FB1] =	sst s7  }
0x10: {  	[smem:$0x3FB2] =	sst s8  }
0x11: {  	[smem:$0x3FB3] =	sst s9;
	s0 =	simm.s32 @!p0 $0x0  }
0x12: {  	s1 =	sld [smem:$0x3F99];
	s0 =	simm.s32 @p0 $0x1  }
0x13: {  	[smem:$0x3FB4] =	sst s0;
	s0 =	simm.s32 @!p1 $0x0  }
0x14: {  	s2 =	sld [smem:$0x3F98];
	s0 =	simm.s32 @p1 $0x1  }
0x15: {  	[smem:$0x3FB5] =	sst s0;
	s0 =	simm.s32 @!p2 $0x0  }
0x16: {  	s3 =	sld [smem:$0x3FDB];
	s0 =	simm.s32 @p2 $0x1  }
0x17: {  	s4 =	simm.s32 $0x1BF5;
	[smem:$0x3FB7] =	sst s0  }
0x18: {  	s0 =	sld [smem:$0x3F9A];
	_ =	swait.ge [sflag:s4], $0x0  }
0x19: {  	s7 =	sld [smem:$0x3F9B]  }
0x1a: {  	s8 =	sadd.s32 $0xFFFFE003, lr  }
0x1b: {  	s9 =	sadd.s32 $0xFFFFFEF7, lr;
	s5 =	simm.s32 $0xFFFFFFFF;
	p2 =	slt.u32 s8, $0xFFFFF086  }
0x1c: {  	p1 =	slt.u32 s9, $0xF7A;
	s5 =	simm.s32 @!p2 $0x0  }
0x1d: {  	s5 =	simm.s32 @p1 $0x1;
	p0 =	seq.s32 s7, s2  }
0x1e: {  	s7 =	smul.u32 @!p0 $0xF7A, s2;
	p2 =	seq.s32 @!p0 s5, $0x0  }
0x1f: {  	s9 =	smul.u32 $0xF7A, s1;
	s8 =	simm.s32 @!p0 $0x1BF5;
	p2 =	por !p2, p0  }
0x20: {  	[sflag:s8] =	ssyncset.s32 @!p0 $0xFFFFF086;
	s6 =	sadd.s32 @!p0 s3, s7;
	s7 =	simm.s32 @!p0 $0x108  }
0x21: {  	s3 =	sadd.s32 s3, s9;
	s6 =	sadd.s32 @!p0 $0x88, s6;
	s7 =	simm.s32 @p2 $0x1082  }
0x22: {  	[simem:s7], [sflag:s8] =	dma.local @!p0 [hbm:s6], $0xF7A  }
0x23: {  	s9 =	sor.u32 $0xD0000000, s2;
	s6 =	simm.s32 $0x108;
	_ =	swait.ge @!p0 [sflag:s8], $0x0  }
0x24: {  	s3 =	sadd.s32 $0x88, s3;
	s6 =	simm.s32 @!p1 $0x1082;
	[sflag:s4] =	ssyncset.s32 $0xFFFFF086  }
0x25: {  	[simem:s6], [sflag:s4] =	dma.local [hbm:s3], $0xF7A  }
0x26: {  	[smem:$0x3F9B] =	sst s1;
	(tag) =	ssettag s2;
	_ =	strace s9  }
0x27: {  	s1 =	sld [smem:$0x3FAB]  }
0x28: {  	s2 =	sld [smem:$0x3FAC]  }
0x29: {  	s4 =	sld [smem:$0x3FAE]  }
0x2a: {  	p0 =	seq.s32 s5, $0x0;
	s5 =	sld [smem:$0x3FAF]  }
0x2b: {  	s6 =	sld [smem:$0x3FB0]  }
0x2c: {  	s7 =	sld [smem:$0x3FB1]  }
0x2d: {  	s3 =	simm.s32 $0x108;
	s8 =	sld [smem:$0x3FB2]  }
0x2e: {  	s3 =	simm.s32 @!p0 $0x1082;
	s9 =	sld [smem:$0x3FB3]  }
0x2f: {  	lr =	sadd.s32 s0, s3;
	s0 =	sld [smem:$0x3FAA]  }
0x30: {  	s3 =	sld [smem:$0x3FAD]  }
0x31: {  	[smem:$0x3FB6] =	sst s10  }
0x32: {  	s10 =	sld [smem:$0x3FB4];
	_ =	sdelay $0x3  }
0x33: {  	p0 =	seq.s32 s10, $0x1;
	s10 =	sld [smem:$0x3FB6];
	_ =	sdelay $0x3  }
0x34: {  	[smem:$0x3FB6] =	sst s10  }
0x35: {  	s10 =	sld [smem:$0x3FB5];
	_ =	sdelay $0x3  }
0x36: {  	p1 =	seq.s32 s10, $0x1;
	s10 =	sld [smem:$0x3FB6];
	_ =	sdelay $0x3  }
0x37: {  	[smem:$0x3FB6] =	sst s10  }
0x38: {  	s10 =	sld [smem:$0x3FB7]  }
0x39: {  	_ = 	snop;
	(pc) =	sbr.ind lr, $3  }
0x3a: {  	_ = 	snop  }
0x3b: {  	_ = 	snop  }
0x3c: {  	p2 =	seq.s32 s10, $0x1;
	s10 =	sld [smem:$0x3FB6]  }
0x3d: {  	_ =	shalt  }
0x3e: {  	_ =	shalt  }
0x3f: {  	_ =	shalt  }
0x40: {  	_ =	shalt  }
0x41: {  	_ =	shalt  }
0x42: {  	_ =	shalt  }
0x43: {  	_ =	shalt  }
0x44: {  	_ =	shalt  }
0x45: {  	_ =	shalt  }
0x46: {  	_ =	shalt  }
0x47: {  	_ =	shalt  }
0x48: {  	_ =	shalt  }
0x49: {  	_ =	shalt  }
0x4a: {  	_ =	shalt  }
0x4b: {  	_ =	shalt  }
0x4c: {  	_ =	shalt  }
0x4d: {  	_ =	shalt  }
0x4e: {  	_ =	shalt  }
0x4f: {  	_ =	shalt  }
0x50: {  	_ =	shalt  }
0x51: {  	_ =	shalt  }
0x52: {  	_ =	shalt  }
0x53: {  	_ =	shalt  }
0x54: {  	_ =	shalt  }
0x55: {  	_ =	shalt  }
0x56: {  	_ =	shalt  }
0x57: {  	_ =	shalt  }
0x58: {  	_ =	shalt  }
0x59: {  	_ =	shalt  }
0x5a: {  	_ =	shalt  }
0x5b: {  	_ =	shalt  }
0x5c: {  	_ =	shalt  }
0x5d: {  	_ =	shalt  }
0x5e: {  	_ =	shalt  }
0x5f: {  	_ =	shalt  }
0x60: {  	_ =	shalt  }
0x61: {  	_ =	shalt  }
0x62: {  	_ =	shalt  }
0x63: {  	_ =	shalt  }
0x64: {  	_ =	shalt  }
0x65: {  	_ =	shalt  }
0x66: {  	_ =	shalt  }
0x67: {  	_ =	shalt  }
0x68: {  	_ =	shalt  }
0x69: {  	_ =	shalt  }
0x6a: {  	_ =	shalt  }
0x6b: {  	_ =	shalt  }
0x6c: {  	_ =	shalt  }
0x6d: {  	_ =	shalt  }
0x6e: {  	_ =	shalt  }
0x6f: {  	_ =	shalt  }
0x70: {  	_ =	shalt  }
0x71: {  	_ =	shalt  }
0x72: {  	_ =	shalt  }
0x73: {  	_ =	shalt  }
0x74: {  	_ =	shalt  }
0x75: {  	_ =	shalt  }
0x76: {  	_ =	shalt  }
0x77: {  	_ =	shalt  }
0x78: {  	_ =	shalt  }
0x79: {  	_ =	shalt  }
0x7a: {  	_ =	shalt  }
0x7b: {  	_ =	shalt  }
0x7c: {  	_ =	shalt  }
0x7d: {  	_ =	shalt  }
0x7e: {  	_ =	shalt  }
0x7f: {  	_ =	shalt  }
0x80: {  	_ =	shalt  }
0x81: {  	_ =	shalt  }
0x82: {  	_ =	shalt  }
0x83: {  	_ =	shalt  }
0x84: {  	_ =	shalt  }
0x85: {  	_ =	shalt  }
0x86: {  	_ =	shalt  }
0x87: {  	_ =	shalt  }
.Lfunc_end0:
.L_simem_size_0:
called_computation_lowered:
.L_overlay_start_0:
0x88: {  	s2 =	sld [smem:$0x3FD9]  }
0x89: {  	s3 =	sld [smem:$0x3FFE];
	_ =	sdelay $0x1  }
0x8a: {  	s1 =	srdreg.scid  }
0x8b: {  	s0 =	sand.u32 $0x1, s1  }
0x8c: {  	s14 =	sshll.u32 s0, $0xA;
	s2 =	sadd.s32 s3, s2  }
0x8d: {  	s2 =	sadd.s32 s2, s14  }
0x8e: {  	[smem:$0x3FC2] =	sst s2  }
0x8f: {  	_ = 	snop  }
0x90: {  	s2 =	sld [smem:$0x3FD0];
	_ =	sdelay $0x2  }
0x91: {  	s15 =	simm.s32 $0xA;
	s4 =	simm.s32 $0x10  }
0x92: {  	[smem:s4], [sflag:s15] =	dma.local [hbm:s2], $0x1  }
0x93: {  	_ =	swait.eq [sflag:s15], $0x1  }
0x94: {  	[sflag:s15] =	ssyncset.done $0x0  }
0x95: {  	[sflag:s15] =	ssyncadd.s32 $0xFFFFFFFF  }
0x96: {  	s16 =	sld [smem:$0x11];
	(tm) =	ssettm $0x1  }
0x97: {  	s17 =	sld [smem:$0x3FFB];
	_ =	sdelay $0x3  }
0x98: {  	_ =	strace s17  }
0x99: {  	s3 =	sld [smem:$0x3FFC];
	_ =	sdelay $0x3  }
0x9a: {  	_ =	strace s3  }
0x9b: {  	s3 =	sld [smem:$0x3FFD];
	_ =	sdelay $0x3  }
0x9c: {  	_ =	strace s3  }
0x9d: {  	_ =	strace $0x8FFFFFFF  }
0x9e: {  	s18 =	sld [smem:$0x3FDB];
	_ =	sdelay $0x1  }
0x9f: {  	s19 =	simm.s32 $_scs_section_size  }
0xa0: {  	s5 =	simm.s32 $_size__tile_overlayer_lowered;
	s6 =	simm.s32 $_tile_overlayer_lowered  }
0xa1: {  	s22 =	simm.s32 $0x1BFF;
	s21 =	sshll.u32 s6, $0x1;
	s3 =	sadd.s32 s19, s18  }
0xa2: {  	s7 =	simm.s32 $0x0;
	s20 =	sshll.u32 s5, $0x1;
	s5 =	sadd.s32 s21, s3  }
0xa3: {  	[timem:s7], [sflag:s22] =	dma.local [hbm:s5], s20  }
0xa4: {  	_ =	swait.ge [sflag:s22], s20  }
0xa5: {  	s4 =	ssub.s32 $0x0, s20;
	[sflag:s22] =	ssyncset.done $0x0  }
0xa6: {  	[sflag:s22] =	ssyncadd.s32 s4;
	_ =	sdelay $0x1  }
0xa7: {  	s23 =	simm.s32 $0x1B8B  }
0xa8: {  	_ =	swait.ge [sflag:s23], $0x1  }
0xa9: {  	[sflag:s23] =	ssyncset.done $0x0  }
0xaa: {  	s25 =	simm.s32 $0x1B8E;
	s24 =	sld [smem:$0x3FFE];
	[sflag:s23] =	ssyncadd.s32 $0xFFFFFFFF  }
0xab: {  	s26 =	simm.s32 $execute0_lowered;
	[smem:$0x3FD2] =	sst s25  }
0xac: {  	s5 =	sshll.u32 s26, $0x1;
	_ =	strace $0x80000046;
	[dreg:$0x1] =	wrdreg $0xFFFFFFFF  }
0xad: {  	s28 =	simm.s32 $_size_execute0_lowered;
	s3 =	sadd.s32 s3, s5;
	[dreg:$0x0] =	wrdreg $0x0  }
0xae: {  	s5 =	sshll.u32 s28, $0x1;
	[dreg:$0x2] =	wrdreg s3  }
0xaf: {  	[dreg:$0x3] =	wrdreg s5  }
0xb0: {  	[dreg:$0x4] =	wrdreg $0xC0  }
0xb1: {  	_ =	task [dreg:s7], $0x5FFFF  }
0xb2: {  	[dreg:$0x1] =	wrdreg $0xFFFFFFFF  }
0xb3: {  	[dreg:$0x0] =	wrdreg $0x60  }
0xb4: {  	[dreg:$0x2] =	wrdreg s24  }
0xb5: {  	[dreg:$0x3] =	wrdreg s16  }
0xb6: {  	[dreg:$0x4] =	wrdreg $0x2B000  }
0xb7: {  	[dreg:$0x5] =	wrdreg $0x9  }
0xb8: {  	_ =	task.clear_ibuf [dreg:s7], $0x6FFFF;
	_ =	strace $0x90000046  }
0xb9: {  	s29 =	simm.s32 $0x9;
	_ =	strace $0x80000048  }
0xba: {  	_ =	swait.ge [sflag:s29], $0x1  }
0xbb: {  	[sflag:s29] =	ssyncadd.s32 $0xFFFFFFFF  }
0xbc: {  	_ =	strace $0x90000048  }
0xbd: {  	_ =	sfence  }
0xbe: {  	s30 =	sld [smem:$0x0];
	_ =	sdelay $0x2  }
0xbf: {  	s31 =	sshll.u32 s1, $0xD;
	s1 =	sshrl.u32 s1, $0x2  }
0xc0: {  	s3 =	sand.u32 $0x4000, s31;
	s1 =	sadd.s32 s1, s30  }
0xc1: {  	s0 =	sor.u32 s3, s0;
	s1 =	sshll.u32 s1, $0x11  }
0xc2: {  	s0 =	sor.u32 s1, s0  }
0xc3: {  	s0 =	sadd.s32 $0x8F2B, s0  }
0xc4: {  	[sflag:s0] =	ssyncadd.remote.s32 $0x1  }
0xc5: {  	_ =	sfence.sel $0xFFFF  }
0xc6: {  	[dreg:$0x0] =	wrdreg $0xFFFFFFFF;
	(pc) =	sbr.abs _section_cstart, $3  }
0xc7: {  	[dreg:$0x1] =	wrdreg $0xFFFFFFFF  }
0xc8: {  	_ =	task.clear_ibuf [dreg:s7], $0x2FFFF;
	_ =	strace $0x9FFFFFFF  }
0xc9: {  	(tm) =	ssettm $0x7FFFFFFF  }
tec
execute0_lowered:
.L_overlay_start_1:
0x0: {  	(tag) =	ssettag $0x1  }
0x1: {  	s4 =	rddreg [dreg:$0x0]  }
0x2: {  	s6 =	rddreg [dreg:$0x1]  }
0x3: {  	s0 =	srdreg.scid;
	s2 =	rddreg [dreg:$0x2]  }
0x4: {  	s3 =	simm.s32 $0x0;
	s11 =	simm.s32 $0x2800;
	s14 =	simm.s32 $0x20  }
0x5: {  	s15 =	simm.s32 $0x10;
	s5 =	sand.u32 $0x1, s0;
	s0 =	stileid.u32  }
0x6: {  	s16 =	simm.s32 $0x0;
	[smem:$0x7FF] =	sst s3;
	s8 =	smul.u32 $0xA00, s0  }
0x7: {  	s1 =	sshll.u32 s5, $0x4;
	s9 =	ssub.s32 $0x2, s5;
	s10 =	smul.u32 $0x500, s0  }
0x8: {  	s5 =	sshll.u32 s5, $0x7;
	s12 =	sshll.u32 s0, $0x6;
	s7 =	sor.u32 s0, s1  }
0x9: {  	s1 =	rddreg [dreg:$0x3];
	_ =	strace $0x80000047;
	s28 =	sshrl.u32 s9, $0x1  }
0xa: {  	s12 =	sor.u32 $0x1C01, s12;
	s7 =	smul.u32 $0x500, s7;
	s9 =	ssub.s32 s9, s28  }
0xb: {  	s29 =	sshrl.u32 s8, $0x2;
	s30 =	sor.u32 s5, s10;
	s8 =	simm.s32 $0x2880  }
0xc: {  	s10 =	simm.s32 $0x80;
	s31 =	sshrl.u32 s30, $0x3;
	s7 =	sadd.s32 s7, s4  }
0xd: {  	s4 =	sadd.s32 s29, s2;
	s6 =	sadd.s32 s6, s31;
	s5 =	sadd.s32 $0x2600, s7  }
0xe: {  	v0 =	vimm.f32 $0.0e+00;
	v1 =	vimm.f32 $1.000000000e+00;
	s7 =	smax.u32 s9, $0x1;
	s9 =	simm.s32 $0x1;
	s13 =	sshrl.u32 s4, $0x3  }
.LBB2_1:
0xf: {  	[tilespmem:$0x2880] =	vst v0  }
0x10: {  	[tilespmem:$0x2890] =	vst v0  }
0x11: {  	[tilespmem:$0x28A0] =	vst v0  }
0x12: {  	[tilespmem:$0x28B0] =	vst v0  }
0x13: {  	[tilespmem:$0x28C0] =	vst v0  }
0x14: {  	[tilespmem:$0x28D0] =	vst v0  }
0x15: {  	[tilespmem:$0x28E0] =	vst v0  }
0x16: {  	[tilespmem:$0x28F0] =	vst v0  }
0x17: {  	[tilespmem:$0x2900] =	vst v0  }
0x18: {  	[tilespmem:$0x2910] =	vst v0  }
0x19: {  	[tilespmem:$0x2920] =	vst v0  }
0x1a: {  	[tilespmem:$0x2930] =	vst v0  }
0x1b: {  	[tilespmem:$0x2940] =	vst v0  }
0x1c: {  	[tilespmem:$0x2950] =	vst v0  }
0x1d: {  	[tilespmem:$0x2960] =	vst v0  }
0x1e: {  	[tilespmem:$0x2970] =	vst v0  }
0x1f: {  	[tilespmem:$0x2980] =	vst v0  }
0x20: {  	[tilespmem:$0x2990] =	vst v0  }
0x21: {  	[tilespmem:$0x29A0] =	vst v0  }
0x22: {  	[tilespmem:$0x29B0] =	vst v0  }
0x23: {  	[tilespmem:$0x29C0] =	vst v0  }
0x24: {  	[tilespmem:$0x29D0] =	vst v0  }
0x25: {  	[tilespmem:$0x29E0] =	vst v0  }
0x26: {  	[tilespmem:$0x29F0] =	vst v0  }
0x27: {  	[tilespmem:$0x2A00] =	vst v0  }
0x28: {  	[tilespmem:$0x2A10] =	vst v0  }
0x29: {  	[tilespmem:$0x2A20] =	vst v0  }
0x2a: {  	[tilespmem:$0x2A30] =	vst v0  }
0x2b: {  	[tilespmem:$0x2A40] =	vst v0  }
0x2c: {  	[tilespmem:$0x2A50] =	vst v0  }
0x2d: {  	[tilespmem:$0x2A60] =	vst v0  }
0x2e: {  	[tilespmem:$0x2A70] =	vst v0  }
0x2f: {  	[tilespmem:$0x2A80] =	vst v0  }
0x30: {  	[tilespmem:$0x2A90] =	vst v0  }
0x31: {  	[tilespmem:$0x2AA0] =	vst v0  }
0x32: {  	[tilespmem:$0x2AB0] =	vst v0  }
0x33: {  	[tilespmem:$0x2AC0] =	vst v0  }
0x34: {  	[tilespmem:$0x2AD0] =	vst v0  }
0x35: {  	[tilespmem:$0x2AE0] =	vst v0  }
0x36: {  	[tilespmem:$0x2AF0] =	vst v0  }
0x37: {  	[tilespmem:$0x2800] =	vst v1  }
0x38: {  	[tilespmem:$0x2810] =	vst v1  }
0x39: {  	[tilespmem:$0x2820] =	vst v1  }
0x3a: {  	[tilespmem:$0x2830] =	vst v1  }
0x3b: {  	[tilespmem:$0x2840] =	vst v1  }
0x3c: {  	[tilespmem:$0x2850] =	vst v1  }
0x3d: {  	[tilespmem:$0x2860] =	vst v1  }
0x3e: {  	[tilespmem:$0x2870] =	vst v1  }
0x3f: {  	[spmem:s4] =	stream.linear.scatter [tilespmem:s8], [sflag:$0x1], $0x280, $0x38;
	[tilespmem:$0x2D80] =	vst v63  }
0x40: {  	_ =	swait.ge [sflag:s9], $0x280  }
0x41: {  	[sflag:s9] =	ssyncset.done $0x0  }
0x42: {  	[sflag:s9] =	ssyncadd.s32 $0xFFFFFD80  }
0x43: {  	[tilespmem:s3], [sflag:$0x1] =	stream.linear.gather [hbm4b:s5+s3], $0x2800, $0x38;
	[tilespmem:$0x2D80] =	vst v63  }
0x44: {  	_ =	swait.ge [sflag:s9], $0x2800  }
0x45: {  	[sflag:s9] =	ssyncset.done $0x0  }
0x46: {  	[sflag:s9] =	ssyncadd.s32 $0xFFFFD800  }
0x47: {  	s17 =	simm.s32 $0x0;
	[bflag:$0x0] =	sbarrier.arrive $0xFFFF  }
0x48: {  	[spmem:s2] =	stream.indirect.scatter.add.f32 [tilespmem:s11], [sflag:$0x1], $0x1, s17, s10, $0xb8;
	[tilespmem:$0x2D80] =	vst v63  }
0x49: {  	_ =	swait.ge [sflag:s9], $0x80  }
0x4a: {  	s17 =	simm.s32 $0x200;
	[sflag:s9] =	ssyncset.done $0x0  }
.LBB2_2:
0x4b: {  	s18 =	sshra.s32 s17, $0x2;
	[sflag:s9] =	ssyncadd.s32 $0xFFFFFF80;
	p0 =	sne.s32 s17, $0x9E00  }
0x4c: {  	[spmem:s2] =	stream.indirect.scatter.add.f32 [tilespmem:s11], [sflag:$0x1], $0x1, s18, s10, $0xb8;
	[tilespmem:$0x2D80] =	vst v63  }
.Ltmp0:
0x4d: {  	_ = 	snop;
	(pc) =	sbr.rel @p0 .LBB2_2-.Ltmp0, $4  }
0x4e: {  	_ = 	snop  }
0x4f: {  	s17 =	sadd.s32 $0x200, s17  }
0x50: {  	_ =	swait.ge [sflag:s9], $0x80  }
0x51: {  	[sflag:s9] =	ssyncset.done $0x0  }
0x52: {  	s16 =	sadd.s32 $0x1, s16  }
0x53: {  	[sflag:s9] =	ssyncadd.s32 $0xFFFFFF80;
	p0 =	sne.s32 s16, s7  }
.Ltmp1:
0x54: {  	[bflag:$0x0] =	sbarrier.arrive $0xFFFF;
	(pc) =	sbr.rel @p0 .LBB2_1-.Ltmp1, $4  }
0x55: {  	[hbm:s6@s14], [sflag:s12] =	dma.strided [spmem:s13@s15], $0x50, s9, $0x10   }
0x56: {  	_ =	swait.ge [sflag:s9], $0x50  }
0x57: {  	[sflag:s9] =	ssyncset.done $0x0  }
0x58: {  	[sflag:s9] =	ssyncadd.s32 $0xFFFFFFB0  }
0x59: {  	_ =	sfence.sel $0x180000  }
0x5a: {  	[bflag:$0x0] =	sbarrier.arrive $0xFFFF  }
0x5b: {  	p0 =	sne.s32 s0, $0x0;
	_ =	strace $0x90000047  }
0x5c: {  	s0 =	sadd.s32 @!p0 $0x100000, s1;
	[bflag:$0x2] =	sbarrier.arrive $0xFFFF  }
0x5d: {  	[sflag:s0] =	ssyncadd.tile.s32 @!p0 $0x1;
	_ =	shalt  }
.Lfunc_end2:
_tile_overlayer_lowered:
.L_overlay_start_2:
0x5e: {  	(tag) =	ssettag $0x2  }
0x5f: {  	s0 =	rddreg [dreg:$0x0];
	s2 =	stileid.u32  }
0x60: {  	s1 =	rddreg [dreg:$0x1];
	p0 =	sne.s32 s2, $0x0  }
0x61: {  	s3 =	rddreg [dreg:$0x2];
	[bflag:$0x3] =	sbarrier.arrive $0xFFFF;
	s2 =	simm.s32 @!p0 $0x1C01  }
0x62: {  	[timem:s3], [sflag:s2] =	dma.local @!p0 [hbm:s0], s1  }
0x63: {  	s0 =	simm.s32 @!p0 $0x1  }
0x64: {  	_ =	swait.ge @!p0 [sflag:s0], s1  }
0x65: {  	s1 =	ssub.s32 @!p0 $0x0, s1;
	[sflag:s0] =	ssyncset.done @!p0 $0x0  }
0x66: {  	[sflag:s0] =	ssyncadd.s32 @!p0 s1  }
0x67: {  	[bflag:$0x3] =	sbarrier.arrive $0xFFFF  }
0x68: {  	_ =	shalt  }

</sc_bundles>
